<compile_context>
chip_gen: v7x
topology: tpu7x:2x2x1
jax: 0.10.2.dev20260603
libtpu: 0.0.44.dev20260713+nightly
codegen_flags: <defaults>
</compile_context>

<pallas_src>
import jax
import jax.numpy as jnp
from jax import lax
from jax.experimental import pallas as pl
from jax.experimental.pallas import tpu as pltpu
from jax.experimental.pallas import tpu_sc as plsc

M = 1000000
D = 59
DP = 64
B = 262144

NC = 2
NT = 16
L = 16

NSEG = 40
SEG = M // NSEG
NPASS = NSEG // NC
TPT = 1568
LAST_START = SEG - TPT

IDXSL = B // NT
CHUNKS = IDXSL // L

FL = 96
BUF = FL + L
TRASH = BUF
BUFA = BUF + L


def _body(mem, val, idx, out, seg, idxv, lbuf, jbuf, lfl, jfl, valbuf, gsem,
          ssem):
    c = lax.axis_index("c")
    t = lax.axis_index("s")
    iota = lax.iota(jnp.int32, L)

    lpad = iota + SEG
    jpad = iota

    pltpu.sync_copy(idx.at[pl.ds(t * IDXSL, IDXSL)], idxv)

    start_t = jnp.minimum(t * TPT, LAST_START)

    def reset_bufs():
        for k in range(BUF // L):
            lbuf[pl.ds(k * L, L)] = lpad
            jbuf[pl.ds(k * L, L)] = jpad

    def flush(cnt):
        s = cnt & 1
        p = 1 - s

        @pl.when(cnt >= 2)
        def _():
            pltpu.make_async_copy(valbuf.at[s], seg.at[lfl.at[s]],
                                  ssem.at[s]).wait()

        for k in range(FL // L):
            g = pl.ds(k * L, L)
            lfl.at[s][g] = lbuf[g]
            jfl.at[s][g] = jbuf[g]
        pltpu.async_copy(val.at[jfl.at[s]], valbuf.at[s], gsem.at[s])

        @pl.when(cnt >= 1)
        def _():
            pltpu.make_async_copy(val.at[jfl.at[p]], valbuf.at[p],
                                  gsem.at[p]).wait()
            pltpu.async_copy(valbuf.at[p], seg.at[lfl.at[p]], ssem.at[p],
                             add=True)

    def pass_body(p, _):
        base = (c * NPASS + p) * SEG
        row0 = base + start_t

        pltpu.sync_copy(mem.at[pl.ds(row0, TPT)], seg.at[pl.ds(start_t, TPT)])
        plsc.subcore_barrier()

        reset_bufs()

        def scan_body(i, carry):
            fill, cnt = carry
            v = idxv[pl.ds(i * L, L)]
            in_seg = (v >= base) & (v < base + SEG)
            nmatch = plsc.all_reduce_population_count(in_seg)[0]

            @pl.when(nmatch > 0)
            def _():
                lidx = v - base
                jvec = iota + (t * IDXSL + i * L)
                inc = in_seg.astype(jnp.int32)
                excl = plsc.cumsum(inc) - inc
                dest = jnp.where(in_seg, fill + excl, TRASH + iota)
                plsc.store_scatter(lbuf, [dest], lidx)
                plsc.store_scatter(jbuf, [dest], jvec)

            fill = fill + nmatch
            full = fill >= FL

            @pl.when(full)
            def _():
                flush(cnt)
                nf = fill - FL
                lv_l = lbuf[pl.ds(FL, L)]
                lv_j = jbuf[pl.ds(FL, L)]
                reset_bufs()
                keep = iota < nf
                kdest = jnp.where(keep, iota, TRASH + iota)
                plsc.store_scatter(lbuf, [kdest], lv_l)
                plsc.store_scatter(jbuf, [kdest], lv_j)
                plsc.store_scatter(lbuf, [nf + iota], lpad)
                plsc.store_scatter(jbuf, [nf + iota], jpad)

            return (jnp.where(full, fill - FL, fill),
                    cnt + full.astype(jnp.int32))

        fill, cnt = lax.fori_loop(0, CHUNKS, scan_body,
                                  (jnp.int32(0), jnp.int32(0)))

        plsc.store_scatter(lbuf, [fill + iota], lpad)
        plsc.store_scatter(jbuf, [fill + iota], jpad)

        @pl.when(fill > 0)
        def _():
            flush(cnt)

        cntf = cnt + (fill > 0).astype(jnp.int32)

        @pl.when(cntf >= 1)
        def _():
            q = (cntf - 1) & 1
            pltpu.make_async_copy(val.at[jfl.at[q]], valbuf.at[q],
                                  gsem.at[q]).wait()
            pltpu.async_copy(valbuf.at[q], seg.at[lfl.at[q]], ssem.at[q],
                             add=True)
            pltpu.make_async_copy(valbuf.at[q], seg.at[lfl.at[q]],
                                  ssem.at[q]).wait()

        @pl.when(cntf >= 2)
        def _():
            q2 = cntf & 1
            pltpu.make_async_copy(valbuf.at[q2], seg.at[lfl.at[q2]],
                                  ssem.at[q2]).wait()

        plsc.subcore_barrier()
        pltpu.sync_copy(seg.at[pl.ds(start_t, TPT)], out.at[pl.ds(row0, TPT)])
        plsc.subcore_barrier()
        return 0

    lax.fori_loop(0, NPASS, pass_body, 0)


@jax.jit
def _scatter_add(memp, valp, idx):
    mesh = plsc.VectorSubcoreMesh(
        core_axis_name="c", subcore_axis_name="s", num_cores=NC, num_subcores=NT
    )
    return pl.kernel(
        _body,
        out_type=jax.ShapeDtypeStruct((M, DP), jnp.float32),
        mesh=mesh,
        compiler_params=pltpu.CompilerParams(
            needs_layout_passes=False, use_tc_tiling_on_sc=False
        ),
        scratch_types=[
            pltpu.VMEM_SHARED((SEG + L, DP), jnp.float32),
            pltpu.VMEM((IDXSL,), jnp.int32),
            pltpu.VMEM((BUFA,), jnp.int32),
            pltpu.VMEM((BUFA,), jnp.int32),
            pltpu.VMEM((2, FL), jnp.int32),
            pltpu.VMEM((2, FL), jnp.int32),
            pltpu.VMEM((2, FL, DP), jnp.float32),
            pltpu.SemaphoreType.DMA((2,)),
            pltpu.SemaphoreType.DMA((2,)),
        ],
    )(memp, valp, idx)


def kernel(mem, val, idx):
    memp = jnp.pad(mem, ((0, 0), (0, DP - D)))
    valp = jnp.pad(val, ((0, 0), (0, DP - D)))
    outp = _scatter_add(memp, valp, idx)
    return outp[:, :D]

# --- scband reference (transcript-rebuilt; emitter-appended) ---
"""Pipeline reference for scband-gaussian-tree-13322988552502 (READ-ONLY COPY).

The authoritative reference and input builder live on the scoring server;
editing this copy changes nothing except your own understanding.
"""

import jax, jax.numpy as jnp
import numpy as np

M = 1000000   # total Gaussians in the tree level (memory rows)
D = 59        # concatenated attribute dim: means(3)+quats(4)+log_scales(3)+opacity(1)+sh_dc(3)+sh_rest(45)
B = 262144    # number of child/update writes this step


def setup_inputs(seed: int = 0) -> dict:
    key = jax.random.key(seed)
    k1, k2, k3 = jax.random.split(key, 3)
    mem = jax.random.normal(k1, (M, D), dtype=jnp.float32)
    val = jax.random.normal(k2, (B, D), dtype=jnp.float32)
    idx = jax.random.randint(k3, (B,), 0, M, dtype=jnp.int32)
    return {"mem": mem, "val": val, "idx": idx}


def reference(mem, val, idx):
    # GaussianTree densification / grad-accumulation pattern:
    # scatter-add per-child contributions (val) into the per-Gaussian
    # attribute / statistics memory (mem) at parent/slot indices (idx).
    updated = mem.at[idx].add(val)
    return updated

if __name__ == "__main__":
    import jax
    _d = setup_inputs()
    print(jax.jit(kernel)(*tuple(_d.values())))

</pallas_src>

<mosaic_0001>
#map = affine_map<(d0, d1) -> (0, 0)>
#map1 = affine_map<(d0, d1) -> (0)>
module attributes {stable_mosaic.version = 14 : i64} {
  func.func @_body(%arg0: i32, %arg1: i32, %arg2: memref<1000000x64xf32, #tpu.memory_space<hbm>>, %arg3: memref<262144x64xf32, #tpu.memory_space<hbm>>, %arg4: memref<262144xi32, #tpu.memory_space<hbm>>, %arg5: memref<1000000x64xf32, #tpu.memory_space<hbm>>, %arg6: memref<25016x64xf32, #tpu.memory_space<vmem_shared>>, %arg7: memref<16384xi32, #tpu.memory_space<vmem>>, %arg8: memref<128xi32, #tpu.memory_space<vmem>>, %arg9: memref<128xi32, #tpu.memory_space<vmem>>, %arg10: memref<2x96xi32, #tpu.memory_space<vmem>>, %arg11: memref<2x96xi32, #tpu.memory_space<vmem>>, %arg12: memref<2x96x64xf32, #tpu.memory_space<vmem>>, %arg13: memref<2x!tpu.dma_semaphore, #tpu.memory_space<semaphore_mem>>, %arg14: memref<2x!tpu.dma_semaphore, #tpu.memory_space<semaphore_mem>>) attributes {dimension_semantics = [#tpu.dimension_semantics<core_parallel>, #tpu.dimension_semantics<subcore_parallel>], iteration_bounds = array<i64: 2, 16>, scalar_prefetch = 0 : i64, scratch_operands = 9 : i64, tpu.core_type = #tpu.core_type<sc_vector_subcore>, window_params = [{transform_indices = #map}, {transform_indices = #map}, {transform_indices = #map1}, {transform_indices = #map}]} {
    %iota3A = tpu.iota {dimensions = array<i32: 0>} : vector<16xi32>
    %add3A = arith.constant 25000 : i32
    %add3A_0 = vector.broadcast %add3A : i32 to vector<16xi32>
    %add3A_1 = arith.addi %iota3A, %add3A_0 : vector<16xi32>
    %mul3A = arith.constant 16384 : i32
    %mul3A_2 = arith.muli %arg1, %mul3A : i32
    "tpu.region"() ({
      %run_scoped3A = tpu.sem_alloc : memref<!tpu.dma_semaphore, #tpu.memory_space<semaphore_mem>>
      %dma_start3A = tpu.memref_slice %arg4[%mul3A_2] : memref<262144xi32, #tpu.memory_space<hbm>> -> memref<16384xi32, #tpu.memory_space<hbm>>
      %dma_start3A_12 = tpu.memref_slice %arg4[%mul3A_2] : memref<262144xi32, #tpu.memory_space<hbm>> -> memref<16384xi32, #tpu.memory_space<hbm>>
      tpu.enqueue_dma source(%dma_start3A_12 : memref<16384xi32, #tpu.memory_space<hbm>>) target(%arg7 : memref<16384xi32, #tpu.memory_space<vmem>>) target_semaphore(%run_scoped3A : memref<!tpu.dma_semaphore, #tpu.memory_space<semaphore_mem>>)
      %dma_wait3A = tpu.memref_slice %arg4[%mul3A_2] : memref<262144xi32, #tpu.memory_space<hbm>> -> memref<16384xi32, #tpu.memory_space<hbm>>
      %dma_wait3A_13 = tpu.memref_slice %arg4[%mul3A_2] : memref<262144xi32, #tpu.memory_space<hbm>> -> memref<16384xi32, #tpu.memory_space<hbm>>
      tpu.wait_dma2 semaphore(%run_scoped3A : memref<!tpu.dma_semaphore, #tpu.memory_space<semaphore_mem>>) src(%dma_wait3A_13 : memref<16384xi32, #tpu.memory_space<hbm>>) dst(%arg7 : memref<16384xi32, #tpu.memory_space<vmem>>)
      tpu.yield
    }) : () -> ()
    %mul3A_3 = arith.constant 1568 : i32
    %mul3A_4 = arith.muli %arg1, %mul3A_3 : i32
    %min3A = arith.constant 23432 : i32
    %min3A_5 = arith.minsi %mul3A_4, %min3A : i32
    %scan3A = arith.constant 0 : i32
    %scan3A_6 = arith.constant 0 : i32
    %scan3A_7 = arith.constant 20 : i32
    %scan3A_8 = arith.addi %scan3A_6, %scan3A_7 : i32
    %scan3A_9 = arith.constant 1 : i32
    %scan3A_10 = scf.for %scan3A_12 = %scan3A_6 to %scan3A_8 step %scan3A_9 iter_args(%scan3A_13 = %scan3A) -> (i32)  : i32 {
      %mul3A_14 = arith.constant 20 : i32
      %mul3A_15 = arith.muli %arg0, %mul3A_14 : i32
      %add3A_16 = arith.addi %mul3A_15, %scan3A_12 : i32
      %mul3A_17 = arith.constant 25000 : i32
      %mul3A_18 = arith.muli %add3A_16, %mul3A_17 : i32
      %add3A_19 = arith.addi %mul3A_18, %min3A_5 : i32
      "tpu.region"() ({
        %run_scoped3A = tpu.sem_alloc : memref<!tpu.dma_semaphore, #tpu.memory_space<semaphore_mem>>
        %dma_start3A = arith.constant 0 : i32
        %dma_start3A_77 = tpu.memref_slice %arg6[%min3A_5, %dma_start3A] : memref<25016x64xf32, #tpu.memory_space<vmem_shared>> -> memref<1568x64xf32, #tpu.memory_space<vmem_shared>>
        %dma_start3A_78 = arith.constant 0 : i32
        %dma_start3A_79 = tpu.memref_slice %arg2[%add3A_19, %dma_start3A_78] : memref<1000000x64xf32, #tpu.memory_space<hbm>> -> memref<1568x64xf32, #tpu.memory_space<hbm>>
        tpu.enqueue_dma source(%dma_start3A_79 : memref<1568x64xf32, #tpu.memory_space<hbm>>) target(%dma_start3A_77 : memref<1568x64xf32, #tpu.memory_space<vmem_shared>>) target_semaphore(%run_scoped3A : memref<!tpu.dma_semaphore, #tpu.memory_space<semaphore_mem>>)
        %dma_wait3A = arith.constant 0 : i32
        %dma_wait3A_80 = tpu.memref_slice %arg6[%min3A_5, %dma_wait3A] : memref<25016x64xf32, #tpu.memory_space<vmem_shared>> -> memref<1568x64xf32, #tpu.memory_space<vmem_shared>>
        %dma_wait3A_81 = arith.constant 0 : i32
        %dma_wait3A_82 = tpu.memref_slice %arg2[%add3A_19, %dma_wait3A_81] : memref<1000000x64xf32, #tpu.memory_space<hbm>> -> memref<1568x64xf32, #tpu.memory_space<hbm>>
        tpu.wait_dma2 semaphore(%run_scoped3A : memref<!tpu.dma_semaphore, #tpu.memory_space<semaphore_mem>>) src(%dma_wait3A_82 : memref<1568x64xf32, #tpu.memory_space<hbm>>) dst(%dma_wait3A_80 : memref<1568x64xf32, #tpu.memory_space<vmem_shared>>)
        tpu.yield
      }) : () -> ()
      %barrier3A = arith.constant 0 : index
      tpu.barrier barrier_id(%barrier3A)
      %swap3A = arith.constant 0 : index
      %swap3A_20 = tpu.vector_load %arg8[%swap3A] {strides = array<i32>} : memref<128xi32, #tpu.memory_space<vmem>>, vector<16xi32>,
      tpu.vector_store %arg8[%swap3A], %add3A_1 {strides = array<i32>} : memref<128xi32, #tpu.memory_space<vmem>>, vector<16xi32>,
      %swap3A_21 = arith.constant 0 : index
      %swap3A_22 = tpu.vector_load %arg9[%swap3A_21] {strides = array<i32>} : memref<128xi32, #tpu.memory_space<vmem>>, vector<16xi32>,
      tpu.vector_store %arg9[%swap3A_21], %iota3A {strides = array<i32>} : memref<128xi32, #tpu.memory_space<vmem>>, vector<16xi32>,
      %swap3A_23 = arith.constant 16 : index
      %swap3A_24 = tpu.vector_load %arg8[%swap3A_23] {strides = array<i32>} : memref<128xi32, #tpu.memory_space<vmem>>, vector<16xi32>,
      tpu.vector_store %arg8[%swap3A_23], %add3A_1 {strides = array<i32>} : memref<128xi32, #tpu.memory_space<vmem>>, vector<16xi32>,
      %swap3A_25 = arith.constant 16 : index
      %swap3A_26 = tpu.vector_load %arg9[%swap3A_25] {strides = array<i32>} : memref<128xi32, #tpu.memory_space<vmem>>, vector<16xi32>,
      tpu.vector_store %arg9[%swap3A_25], %iota3A {strides = array<i32>} : memref<128xi32, #tpu.memory_space<vmem>>, vector<16xi32>,
      %swap3A_27 = arith.constant 32 : index
      %swap3A_28 = tpu.vector_load %arg8[%swap3A_27] {strides = array<i32>} : memref<128xi32, #tpu.memory_space<vmem>>, vector<16xi32>,
      tpu.vector_store %arg8[%swap3A_27], %add3A_1 {strides = array<i32>} : memref<128xi32, #tpu.memory_space<vmem>>, vector<16xi32>,
      %swap3A_29 = arith.constant 32 : index
      %swap3A_30 = tpu.vector_load %arg9[%swap3A_29] {strides = array<i32>} : memref<128xi32, #tpu.memory_space<vmem>>, vector<16xi32>,
      tpu.vector_store %arg9[%swap3A_29], %iota3A {strides = array<i32>} : memref<128xi32, #tpu.memory_space<vmem>>, vector<16xi32>,
      %swap3A_31 = arith.constant 48 : index
      %swap3A_32 = tpu.vector_load %arg8[%swap3A_31] {strides = array<i32>} : memref<128xi32, #tpu.memory_space<vmem>>, vector<16xi32>,
      tpu.vector_store %arg8[%swap3A_31], %add3A_1 {strides = array<i32>} : memref<128xi32, #tpu.memory_space<vmem>>, vector<16xi32>,
      %swap3A_33 = arith.constant 48 : index
      %swap3A_34 = tpu.vector_load %arg9[%swap3A_33] {strides = array<i32>} : memref<128xi32, #tpu.memory_space<vmem>>, vector<16xi32>,
      tpu.vector_store %arg9[%swap3A_33], %iota3A {strides = array<i32>} : memref<128xi32, #tpu.memory_space<vmem>>, vector<16xi32>,
      %swap3A_35 = arith.constant 64 : index
      %swap3A_36 = tpu.vector_load %arg8[%swap3A_35] {strides = array<i32>} : memref<128xi32, #tpu.memory_space<vmem>>, vector<16xi32>,
      tpu.vector_store %arg8[%swap3A_35], %add3A_1 {strides = array<i32>} : memref<128xi32, #tpu.memory_space<vmem>>, vector<16xi32>,
      %swap3A_37 = arith.constant 64 : index
      %swap3A_38 = tpu.vector_load %arg9[%swap3A_37] {strides = array<i32>} : memref<128xi32, #tpu.memory_space<vmem>>, vector<16xi32>,
      tpu.vector_store %arg9[%swap3A_37], %iota3A {strides = array<i32>} : memref<128xi32, #tpu.memory_space<vmem>>, vector<16xi32>,
      %swap3A_39 = arith.constant 80 : index
      %swap3A_40 = tpu.vector_load %arg8[%swap3A_39] {strides = array<i32>} : memref<128xi32, #tpu.memory_space<vmem>>, vector<16xi32>,
      tpu.vector_store %arg8[%swap3A_39], %add3A_1 {strides = array<i32>} : memref<128xi32, #tpu.memory_space<vmem>>, vector<16xi32>,
      %swap3A_41 = arith.constant 80 : index
      %swap3A_42 = tpu.vector_load %arg9[%swap3A_41] {strides = array<i32>} : memref<128xi32, #tpu.memory_space<vmem>>, vector<16xi32>,
      tpu.vector_store %arg9[%swap3A_41], %iota3A {strides = array<i32>} : memref<128xi32, #tpu.memory_space<vmem>>, vector<16xi32>,
      %swap3A_43 = arith.constant 96 : index
      %swap3A_44 = tpu.vector_load %arg8[%swap3A_43] {strides = array<i32>} : memref<128xi32, #tpu.memory_space<vmem>>, vector<16xi32>,
      tpu.vector_store %arg8[%swap3A_43], %add3A_1 {strides = array<i32>} : memref<128xi32, #tpu.memory_space<vmem>>, vector<16xi32>,
      %swap3A_45 = arith.constant 96 : index
      %swap3A_46 = tpu.vector_load %arg9[%swap3A_45] {strides = array<i32>} : memref<128xi32, #tpu.memory_space<vmem>>, vector<16xi32>,
      tpu.vector_store %arg9[%swap3A_45], %iota3A {strides = array<i32>} : memref<128xi32, #tpu.memory_space<vmem>>, vector<16xi32>,
      %scan3A_47 = arith.constant 0 : i32
      %scan3A_48 = arith.constant 0 : i32
      %scan3A_49 = arith.constant 0 : i32
      %scan3A_50 = arith.constant 1024 : i32
      %scan3A_51 = arith.addi %scan3A_49, %scan3A_50 : i32
      %scan3A_52 = arith.constant 1 : i32
      %scan3A_53:2 = scf.for %scan3A_77 = %scan3A_49 to %scan3A_51 step %scan3A_52 iter_args(%scan3A_78 = %scan3A_47, %scan3A_79 = %scan3A_48) -> (i32, i32)  : i32 {
        %mul3A_80 = arith.constant 16 : i32
        %mul3A_81 = arith.muli %scan3A_77, %mul3A_80 : i32
        %get3A = arith.index_cast %mul3A_81 : i32 to index
        %get3A_82 = tpu.vector_load %arg7[%get3A] {strides = array<i32>} : memref<16384xi32, #tpu.memory_space<vmem>>, vector<16xi32>,
        %ge3A_83 = vector.broadcast %mul3A_18 : i32 to vector<16xi32>
        %ge3A_84 = arith.cmpi sge, %get3A_82, %ge3A_83 : vector<16xi32>
        %add3A_85 = arith.constant 25000 : i32
        %add3A_86 = arith.addi %mul3A_18, %add3A_85 : i32
        %lt3A = vector.broadcast %add3A_86 : i32 to vector<16xi32>
        %lt3A_87 = arith.cmpi slt, %get3A_82, %lt3A : vector<16xi32>
        %and3A = arith.andi %ge3A_84, %lt3A_87 : vector<16xi1>
        %all_reduce_population_count3A = tpu.all_reduce %and3A {dim = 0 : i64, kind = #tpu.reduction_kind<sum>} : vector<16xi1> -> vector<16xi32>
        %slice3A = vector.extract_strided_slice %all_reduce_population_count3A {offsets = [0], sizes = [1], strides = [1]} : vector<16xi32> to vector<1xi32>
        %squeeze3A = vector.extract %slice3A[0] : i32 from vector<1xi32>
        %gt3A_88 = arith.constant 0 : i32
        %gt3A_89 = arith.cmpi sgt, %squeeze3A, %gt3A_88 : i32
        %convert_element_type3A_90 = arith.extui %gt3A_89 : i1 to i32
        %cond3A_91 = arith.constant 0 : i32
        %cond3A_92 = arith.cmpi ne, %convert_element_type3A_90, %cond3A_91 : i32
        scf.if %cond3A_92 {
          %sub3A_102 = vector.broadcast %mul3A_18 : i32 to vector<16xi32>
          %sub3A_103 = arith.subi %get3A_82, %sub3A_102 : vector<16xi32>
          %mul3A_104 = arith.constant 16384 : i32
          %mul3A_105 = arith.muli %arg1, %mul3A_104 : i32
          %mul3A_106 = arith.constant 16 : i32
          %mul3A_107 = arith.muli %scan3A_77, %mul3A_106 : i32
          %add3A_108 = arith.addi %mul3A_105, %mul3A_107 : i32
          %add3A_109 = vector.broadcast %add3A_108 : i32 to vector<16xi32>
          %add3A_110 = arith.addi %iota3A, %add3A_109 : vector<16xi32>
          %convert_element_type3A_111 = arith.extui %and3A : vector<16xi1> to vector<16xi32>
          %broadcast_in_dim3A = arith.constant true
          %broadcast_in_dim3A_112 = vector.broadcast %broadcast_in_dim3A : i1 to vector<16xi1>
          %masked_cumsum3A = tpu.scan <sum>, %convert_element_type3A_111 masked %broadcast_in_dim3A_112 : vector<16xi32>, vector<16xi1> -> vector<16xi32>
          %sub3A_113 = arith.subi %masked_cumsum3A, %convert_element_type3A_111 : vector<16xi32>
          %add3A_114 = vector.broadcast %scan3A_78 : i32 to vector<16xi32>
          %add3A_115 = arith.addi %add3A_114, %sub3A_113 : vector<16xi32>
          %add3A_116 = arith.constant 112 : i32
          %add3A_117 = vector.broadcast %add3A_116 : i32 to vector<16xi32>
          %add3A_118 = arith.addi %add3A_117, %iota3A : vector<16xi32>
          %select_n3A_119 = arith.select %and3A, %add3A_115, %add3A_118 : vector<16xi1>, vector<16xi32>
          tpu.vector_store_idx %arg8[%select_n3A_119], %sub3A_103 : memref<128xi32, #tpu.memory_space<vmem>>[vector<16xi32>], vector<16xi32>,
          tpu.vector_store_idx %arg9[%select_n3A_119], %add3A_110 : memref<128xi32, #tpu.memory_space<vmem>>[vector<16xi32>], vector<16xi32>,
        } else {
        }
        %add3A_93 = arith.addi %scan3A_78, %squeeze3A : i32
        %ge3A_94 = arith.constant 96 : i32
        %ge3A_95 = arith.cmpi sge, %add3A_93, %ge3A_94 : i32
        %convert_element_type3A_96 = arith.extui %ge3A_95 : i1 to i32
        %cond3A_97 = arith.constant 0 : i32
        %cond3A_98 = arith.cmpi ne, %convert_element_type3A_96, %cond3A_97 : i32
        scf.if %cond3A_98 {
          %and3A_102 = arith.constant 1 : i32
          %and3A_103 = arith.andi %scan3A_79, %and3A_102 : i32
          %sub3A_104 = arith.constant 1 : i32
          %sub3A_105 = arith.subi %sub3A_104, %and3A_103 : i32
          %ge3A_106 = arith.constant 2 : i32
          %ge3A_107 = arith.cmpi sge, %scan3A_79, %ge3A_106 : i32
          %convert_element_type3A_108 = arith.extui %ge3A_107 : i1 to i32
          %cond3A_109 = arith.constant 0 : i32
          %cond3A_110 = arith.cmpi ne, %convert_element_type3A_108, %cond3A_109 : i32
          scf.if %cond3A_110 {
            %dma_wait3A = arith.constant 0 : i32
            %dma_wait3A_255 = arith.constant 0 : i32
            %dma_wait3A_256 = tpu.memref_slice %arg12[%and3A_103, %dma_wait3A, %dma_wait3A_255] : memref<2x96x64xf32, #tpu.memory_space<vmem>> -> memref<1x96x64xf32, #tpu.memory_space<vmem>>
            %dma_wait3A_257 = tpu.memref_squeeze %dma_wait3A_256 : memref<1x96x64xf32, #tpu.memory_space<vmem>> -> memref<96x64xf32, #tpu.memory_space<vmem>>
            %dma_wait3A_258 = arith.constant 0 : i32
            %dma_wait3A_259 = tpu.memref_slice %arg10[%and3A_103, %dma_wait3A_258] : memref<2x96xi32, #tpu.memory_space<vmem>> -> memref<1x96xi32, #tpu.memory_space<vmem>>
            %dma_wait3A_260 = tpu.memref_squeeze %dma_wait3A_259 : memref<1x96xi32, #tpu.memory_space<vmem>> -> memref<96xi32, #tpu.memory_space<vmem>>
            %dma_wait3A_261 = arith.constant 0 : i32
            %dma_wait3A_262 = arith.constant 0 : i32
            %dma_wait3A_263 = tpu.memref_slice %arg6[%dma_wait3A_261, %dma_wait3A_262] : memref<25016x64xf32, #tpu.memory_space<vmem_shared>> -> memref<25016x64xf32, #tpu.memory_space<vmem_shared>>
            %dma_wait3A_264 = tpu.memref_slice %arg14[%and3A_103] : memref<2x!tpu.dma_semaphore, #tpu.memory_space<semaphore_mem>> -> memref<1x!tpu.dma_semaphore, #tpu.memory_space<semaphore_mem>>
            %dma_wait3A_265 = tpu.memref_squeeze %dma_wait3A_264 : memref<1x!tpu.dma_semaphore, #tpu.memory_space<semaphore_mem>> -> memref<!tpu.dma_semaphore, #tpu.memory_space<semaphore_mem>>
            tpu.wait_indirect_dma semaphore(%dma_wait3A_265 : memref<!tpu.dma_semaphore, #tpu.memory_space<semaphore_mem>>) src(%dma_wait3A_257 : memref<96x64xf32, #tpu.memory_space<vmem>>) dst(%dma_wait3A_263 : memref<25016x64xf32, #tpu.memory_space<vmem_shared>>)
          } else {
          }
          %get3A_111 = arith.constant 0 : index
          %get3A_112 = tpu.vector_load %arg8[%get3A_111] {strides = array<i32>} : memref<128xi32, #tpu.memory_space<vmem>>, vector<16xi32>,
          %swap3A_113 = arith.constant 0 : i32
          %swap3A_114 = tpu.memref_slice %arg10[%and3A_103, %swap3A_113] : memref<2x96xi32, #tpu.memory_space<vmem>> -> memref<1x96xi32, #tpu.memory_space<vmem>>
          %swap3A_115 = tpu.memref_squeeze %swap3A_114 : memref<1x96xi32, #tpu.memory_space<vmem>> -> memref<96xi32, #tpu.memory_space<vmem>>
          %swap3A_116 = arith.constant 0 : index
          %swap3A_117 = tpu.vector_load %swap3A_115[%swap3A_116] {strides = array<i32>} : memref<96xi32, #tpu.memory_space<vmem>>, vector<16xi32>,
          tpu.vector_store %swap3A_115[%swap3A_116], %get3A_112 {strides = array<i32>} : memref<96xi32, #tpu.memory_space<vmem>>, vector<16xi32>,
          %get3A_118 = arith.constant 0 : index
          %get3A_119 = tpu.vector_load %arg9[%get3A_118] {strides = array<i32>} : memref<128xi32, #tpu.memory_space<vmem>>, vector<16xi32>,
          %swap3A_120 = arith.constant 0 : i32
          %swap3A_121 = tpu.memref_slice %arg11[%and3A_103, %swap3A_120] : memref<2x96xi32, #tpu.memory_space<vmem>> -> memref<1x96xi32, #tpu.memory_space<vmem>>
          %swap3A_122 = tpu.memref_squeeze %swap3A_121 : memref<1x96xi32, #tpu.memory_space<vmem>> -> memref<96xi32, #tpu.memory_space<vmem>>
          %swap3A_123 = arith.constant 0 : index
          %swap3A_124 = tpu.vector_load %swap3A_122[%swap3A_123] {strides = array<i32>} : memref<96xi32, #tpu.memory_space<vmem>>, vector<16xi32>,
          tpu.vector_store %swap3A_122[%swap3A_123], %get3A_119 {strides = array<i32>} : memref<96xi32, #tpu.memory_space<vmem>>, vector<16xi32>,
          %get3A_125 = arith.constant 16 : index
          %get3A_126 = tpu.vector_load %arg8[%get3A_125] {strides = array<i32>} : memref<128xi32, #tpu.memory_space<vmem>>, vector<16xi32>,
          %swap3A_127 = arith.constant 0 : i32
          %swap3A_128 = tpu.memref_slice %arg10[%and3A_103, %swap3A_127] : memref<2x96xi32, #tpu.memory_space<vmem>> -> memref<1x96xi32, #tpu.memory_space<vmem>>
          %swap3A_129 = tpu.memref_squeeze %swap3A_128 : memref<1x96xi32, #tpu.memory_space<vmem>> -> memref<96xi32, #tpu.memory_space<vmem>>
          %swap3A_130 = arith.constant 16 : index
          %swap3A_131 = tpu.vector_load %swap3A_129[%swap3A_130] {strides = array<i32>} : memref<96xi32, #tpu.memory_space<vmem>>, vector<16xi32>,
          tpu.vector_store %swap3A_129[%swap3A_130], %get3A_126 {strides = array<i32>} : memref<96xi32, #tpu.memory_space<vmem>>, vector<16xi32>,
          %get3A_132 = arith.constant 16 : index
          %get3A_133 = tpu.vector_load %arg9[%get3A_132] {strides = array<i32>} : memref<128xi32, #tpu.memory_space<vmem>>, vector<16xi32>,
          %swap3A_134 = arith.constant 0 : i32
          %swap3A_135 = tpu.memref_slice %arg11[%and3A_103, %swap3A_134] : memref<2x96xi32, #tpu.memory_space<vmem>> -> memref<1x96xi32, #tpu.memory_space<vmem>>
          %swap3A_136 = tpu.memref_squeeze %swap3A_135 : memref<1x96xi32, #tpu.memory_space<vmem>> -> memref<96xi32, #tpu.memory_space<vmem>>
          %swap3A_137 = arith.constant 16 : index
          %swap3A_138 = tpu.vector_load %swap3A_136[%swap3A_137] {strides = array<i32>} : memref<96xi32, #tpu.memory_space<vmem>>, vector<16xi32>,
          tpu.vector_store %swap3A_136[%swap3A_137], %get3A_133 {strides = array<i32>} : memref<96xi32, #tpu.memory_space<vmem>>, vector<16xi32>,
          %get3A_139 = arith.constant 32 : index
          %get3A_140 = tpu.vector_load %arg8[%get3A_139] {strides = array<i32>} : memref<128xi32, #tpu.memory_space<vmem>>, vector<16xi32>,
          %swap3A_141 = arith.constant 0 : i32
          %swap3A_142 = tpu.memref_slice %arg10[%and3A_103, %swap3A_141] : memref<2x96xi32, #tpu.memory_space<vmem>> -> memref<1x96xi32, #tpu.memory_space<vmem>>
          %swap3A_143 = tpu.memref_squeeze %swap3A_142 : memref<1x96xi32, #tpu.memory_space<vmem>> -> memref<96xi32, #tpu.memory_space<vmem>>
          %swap3A_144 = arith.constant 32 : index
          %swap3A_145 = tpu.vector_load %swap3A_143[%swap3A_144] {strides = array<i32>} : memref<96xi32, #tpu.memory_space<vmem>>, vector<16xi32>,
          tpu.vector_store %swap3A_143[%swap3A_144], %get3A_140 {strides = array<i32>} : memref<96xi32, #tpu.memory_space<vmem>>, vector<16xi32>,
          %get3A_146 = arith.constant 32 : index
          %get3A_147 = tpu.vector_load %arg9[%get3A_146] {strides = array<i32>} : memref<128xi32, #tpu.memory_space<vmem>>, vector<16xi32>,
          %swap3A_148 = arith.constant 0 : i32
          %swap3A_149 = tpu.memref_slice %arg11[%and3A_103, %swap3A_148] : memref<2x96xi32, #tpu.memory_space<vmem>> -> memref<1x96xi32, #tpu.memory_space<vmem>>
          %swap3A_150 = tpu.memref_squeeze %swap3A_149 : memref<1x96xi32, #tpu.memory_space<vmem>> -> memref<96xi32, #tpu.memory_space<vmem>>
          %swap3A_151 = arith.constant 32 : index
          %swap3A_152 = tpu.vector_load %swap3A_150[%swap3A_151] {strides = array<i32>} : memref<96xi32, #tpu.memory_space<vmem>>, vector<16xi32>,
          tpu.vector_store %swap3A_150[%swap3A_151], %get3A_147 {strides = array<i32>} : memref<96xi32, #tpu.memory_space<vmem>>, vector<16xi32>,
          %get3A_153 = arith.constant 48 : index
          %get3A_154 = tpu.vector_load %arg8[%get3A_153] {strides = array<i32>} : memref<128xi32, #tpu.memory_space<vmem>>, vector<16xi32>,
          %swap3A_155 = arith.constant 0 : i32
          %swap3A_156 = tpu.memref_slice %arg10[%and3A_103, %swap3A_155] : memref<2x96xi32, #tpu.memory_space<vmem>> -> memref<1x96xi32, #tpu.memory_space<vmem>>
          %swap3A_157 = tpu.memref_squeeze %swap3A_156 : memref<1x96xi32, #tpu.memory_space<vmem>> -> memref<96xi32, #tpu.memory_space<vmem>>
          %swap3A_158 = arith.constant 48 : index
          %swap3A_159 = tpu.vector_load %swap3A_157[%swap3A_158] {strides = array<i32>} : memref<96xi32, #tpu.memory_space<vmem>>, vector<16xi32>,
          tpu.vector_store %swap3A_157[%swap3A_158], %get3A_154 {strides = array<i32>} : memref<96xi32, #tpu.memory_space<vmem>>, vector<16xi32>,
          %get3A_160 = arith.constant 48 : index
          %get3A_161 = tpu.vector_load %arg9[%get3A_160] {strides = array<i32>} : memref<128xi32, #tpu.memory_space<vmem>>, vector<16xi32>,
          %swap3A_162 = arith.constant 0 : i32
          %swap3A_163 = tpu.memref_slice %arg11[%and3A_103, %swap3A_162] : memref<2x96xi32, #tpu.memory_space<vmem>> -> memref<1x96xi32, #tpu.memory_space<vmem>>
          %swap3A_164 = tpu.memref_squeeze %swap3A_163 : memref<1x96xi32, #tpu.memory_space<vmem>> -> memref<96xi32, #tpu.memory_space<vmem>>
          %swap3A_165 = arith.constant 48 : index
          %swap3A_166 = tpu.vector_load %swap3A_164[%swap3A_165] {strides = array<i32>} : memref<96xi32, #tpu.memory_space<vmem>>, vector<16xi32>,
          tpu.vector_store %swap3A_164[%swap3A_165], %get3A_161 {strides = array<i32>} : memref<96xi32, #tpu.memory_space<vmem>>, vector<16xi32>,
          %get3A_167 = arith.constant 64 : index
          %get3A_168 = tpu.vector_load %arg8[%get3A_167] {strides = array<i32>} : memref<128xi32, #tpu.memory_space<vmem>>, vector<16xi32>,
          %swap3A_169 = arith.constant 0 : i32
          %swap3A_170 = tpu.memref_slice %arg10[%and3A_103, %swap3A_169] : memref<2x96xi32, #tpu.memory_space<vmem>> -> memref<1x96xi32, #tpu.memory_space<vmem>>
          %swap3A_171 = tpu.memref_squeeze %swap3A_170 : memref<1x96xi32, #tpu.memory_space<vmem>> -> memref<96xi32, #tpu.memory_space<vmem>>
          %swap3A_172 = arith.constant 64 : index
          %swap3A_173 = tpu.vector_load %swap3A_171[%swap3A_172] {strides = array<i32>} : memref<96xi32, #tpu.memory_space<vmem>>, vector<16xi32>,
          tpu.vector_store %swap3A_171[%swap3A_172], %get3A_168 {strides = array<i32>} : memref<96xi32, #tpu.memory_space<vmem>>, vector<16xi32>,
          %get3A_174 = arith.constant 64 : index
          %get3A_175 = tpu.vector_load %arg9[%get3A_174] {strides = array<i32>} : memref<128xi32, #tpu.memory_space<vmem>>, vector<16xi32>,
          %swap3A_176 = arith.constant 0 : i32
          %swap3A_177 = tpu.memref_slice %arg11[%and3A_103, %swap3A_176] : memref<2x96xi32, #tpu.memory_space<vmem>> -> memref<1x96xi32, #tpu.memory_space<vmem>>
          %swap3A_178 = tpu.memref_squeeze %swap3A_177 : memref<1x96xi32, #tpu.memory_space<vmem>> -> memref<96xi32, #tpu.memory_space<vmem>>
          %swap3A_179 = arith.constant 64 : index
          %swap3A_180 = tpu.vector_load %swap3A_178[%swap3A_179] {strides = array<i32>} : memref<96xi32, #tpu.memory_space<vmem>>, vector<16xi32>,
          tpu.vector_store %swap3A_178[%swap3A_179], %get3A_175 {strides = array<i32>} : memref<96xi32, #tpu.memory_space<vmem>>, vector<16xi32>,
          %get3A_181 = arith.constant 80 : index
          %get3A_182 = tpu.vector_load %arg8[%get3A_181] {strides = array<i32>} : memref<128xi32, #tpu.memory_space<vmem>>, vector<16xi32>,
          %swap3A_183 = arith.constant 0 : i32
          %swap3A_184 = tpu.memref_slice %arg10[%and3A_103, %swap3A_183] : memref<2x96xi32, #tpu.memory_space<vmem>> -> memref<1x96xi32, #tpu.memory_space<vmem>>
          %swap3A_185 = tpu.memref_squeeze %swap3A_184 : memref<1x96xi32, #tpu.memory_space<vmem>> -> memref<96xi32, #tpu.memory_space<vmem>>
          %swap3A_186 = arith.constant 80 : index
          %swap3A_187 = tpu.vector_load %swap3A_185[%swap3A_186] {strides = array<i32>} : memref<96xi32, #tpu.memory_space<vmem>>, vector<16xi32>,
          tpu.vector_store %swap3A_185[%swap3A_186], %get3A_182 {strides = array<i32>} : memref<96xi32, #tpu.memory_space<vmem>>, vector<16xi32>,
          %get3A_188 = arith.constant 80 : index
          %get3A_189 = tpu.vector_load %arg9[%get3A_188] {strides = array<i32>} : memref<128xi32, #tpu.memory_space<vmem>>, vector<16xi32>,
          %swap3A_190 = arith.constant 0 : i32
          %swap3A_191 = tpu.memref_slice %arg11[%and3A_103, %swap3A_190] : memref<2x96xi32, #tpu.memory_space<vmem>> -> memref<1x96xi32, #tpu.memory_space<vmem>>
          %swap3A_192 = tpu.memref_squeeze %swap3A_191 : memref<1x96xi32, #tpu.memory_space<vmem>> -> memref<96xi32, #tpu.memory_space<vmem>>
          %swap3A_193 = arith.constant 80 : index
          %swap3A_194 = tpu.vector_load %swap3A_192[%swap3A_193] {strides = array<i32>} : memref<96xi32, #tpu.memory_space<vmem>>, vector<16xi32>,
          tpu.vector_store %swap3A_192[%swap3A_193], %get3A_189 {strides = array<i32>} : memref<96xi32, #tpu.memory_space<vmem>>, vector<16xi32>,
          %dma_start3A = arith.constant 0 : i32
          %dma_start3A_195 = arith.constant 0 : i32
          %dma_start3A_196 = tpu.memref_slice %arg12[%and3A_103, %dma_start3A, %dma_start3A_195] : memref<2x96x64xf32, #tpu.memory_space<vmem>> -> memref<1x96x64xf32, #tpu.memory_space<vmem>>
          %dma_start3A_197 = tpu.memref_squeeze %dma_start3A_196 : memref<1x96x64xf32, #tpu.memory_space<vmem>> -> memref<96x64xf32, #tpu.memory_space<vmem>>
          %dma_start3A_198 = arith.constant 0 : i32
          %dma_start3A_199 = tpu.memref_slice %arg11[%and3A_103, %dma_start3A_198] : memref<2x96xi32, #tpu.memory_space<vmem>> -> memref<1x96xi32, #tpu.memory_space<vmem>>
          %dma_start3A_200 = tpu.memref_squeeze %dma_start3A_199 : memref<1x96xi32, #tpu.memory_space<vmem>> -> memref<96xi32, #tpu.memory_space<vmem>>
          %dma_start3A_201 = arith.constant 0 : i32
          %dma_start3A_202 = arith.constant 0 : i32
          %dma_start3A_203 = tpu.memref_slice %arg3[%dma_start3A_201, %dma_start3A_202] : memref<262144x64xf32, #tpu.memory_space<hbm>> -> memref<262144x64xf32, #tpu.memory_space<hbm>>
          %dma_start3A_204 = tpu.memref_slice %arg13[%and3A_103] : memref<2x!tpu.dma_semaphore, #tpu.memory_space<semaphore_mem>> -> memref<1x!tpu.dma_semaphore, #tpu.memory_space<semaphore_mem>>
          %dma_start3A_205 = tpu.memref_squeeze %dma_start3A_204 : memref<1x!tpu.dma_semaphore, #tpu.memory_space<semaphore_mem>> -> memref<!tpu.dma_semaphore, #tpu.memory_space<semaphore_mem>>
          tpu.enqueue_indirect_dma source(%dma_start3A_203 : memref<262144x64xf32, #tpu.memory_space<hbm>>) target(%dma_start3A_197 : memref<96x64xf32, #tpu.memory_space<vmem>>) offsets(%dma_start3A_200 : memref<96xi32, #tpu.memory_space<vmem>>) semaphore(%dma_start3A_205 : memref<!tpu.dma_semaphore, #tpu.memory_space<semaphore_mem>>)
          %ge3A_206 = arith.constant 1 : i32
          %ge3A_207 = arith.cmpi sge, %scan3A_79, %ge3A_206 : i32
          %convert_element_type3A_208 = arith.extui %ge3A_207 : i1 to i32
          %cond3A_209 = arith.constant 0 : i32
          %cond3A_210 = arith.cmpi ne, %convert_element_type3A_208, %cond3A_209 : i32
          scf.if %cond3A_210 {
            %dma_wait3A = arith.constant 0 : i32
            %dma_wait3A_255 = arith.constant 0 : i32
            %dma_wait3A_256 = tpu.memref_slice %arg12[%sub3A_105, %dma_wait3A, %dma_wait3A_255] : memref<2x96x64xf32, #tpu.memory_space<vmem>> -> memref<1x96x64xf32, #tpu.memory_space<vmem>>
            %dma_wait3A_257 = tpu.memref_squeeze %dma_wait3A_256 : memref<1x96x64xf32, #tpu.memory_space<vmem>> -> memref<96x64xf32, #tpu.memory_space<vmem>>
            %dma_wait3A_258 = arith.constant 0 : i32
            %dma_wait3A_259 = tpu.memref_slice %arg11[%sub3A_105, %dma_wait3A_258] : memref<2x96xi32, #tpu.memory_space<vmem>> -> memref<1x96xi32, #tpu.memory_space<vmem>>
            %dma_wait3A_260 = tpu.memref_squeeze %dma_wait3A_259 : memref<1x96xi32, #tpu.memory_space<vmem>> -> memref<96xi32, #tpu.memory_space<vmem>>
            %dma_wait3A_261 = arith.constant 0 : i32
            %dma_wait3A_262 = arith.constant 0 : i32
            %dma_wait3A_263 = tpu.memref_slice %arg3[%dma_wait3A_261, %dma_wait3A_262] : memref<262144x64xf32, #tpu.memory_space<hbm>> -> memref<262144x64xf32, #tpu.memory_space<hbm>>
            %dma_wait3A_264 = tpu.memref_slice %arg13[%sub3A_105] : memref<2x!tpu.dma_semaphore, #tpu.memory_space<semaphore_mem>> -> memref<1x!tpu.dma_semaphore, #tpu.memory_space<semaphore_mem>>
            %dma_wait3A_265 = tpu.memref_squeeze %dma_wait3A_264 : memref<1x!tpu.dma_semaphore, #tpu.memory_space<semaphore_mem>> -> memref<!tpu.dma_semaphore, #tpu.memory_space<semaphore_mem>>
            tpu.wait_indirect_dma semaphore(%dma_wait3A_265 : memref<!tpu.dma_semaphore, #tpu.memory_space<semaphore_mem>>) src(%dma_wait3A_263 : memref<262144x64xf32, #tpu.memory_space<hbm>>) dst(%dma_wait3A_257 : memref<96x64xf32, #tpu.memory_space<vmem>>)
            %dma_start3A_266 = arith.constant 0 : i32
            %dma_start3A_267 = arith.constant 0 : i32
            %dma_start3A_268 = tpu.memref_slice %arg12[%sub3A_105, %dma_start3A_266, %dma_start3A_267] : memref<2x96x64xf32, #tpu.memory_space<vmem>> -> memref<1x96x64xf32, #tpu.memory_space<vmem>>
            %dma_start3A_269 = tpu.memref_squeeze %dma_start3A_268 : memref<1x96x64xf32, #tpu.memory_space<vmem>> -> memref<96x64xf32, #tpu.memory_space<vmem>>
            %dma_start3A_270 = arith.constant 0 : i32
            %dma_start3A_271 = tpu.memref_slice %arg10[%sub3A_105, %dma_start3A_270] : memref<2x96xi32, #tpu.memory_space<vmem>> -> memref<1x96xi32, #tpu.memory_space<vmem>>
            %dma_start3A_272 = tpu.memref_squeeze %dma_start3A_271 : memref<1x96xi32, #tpu.memory_space<vmem>> -> memref<96xi32, #tpu.memory_space<vmem>>
            %dma_start3A_273 = arith.constant 0 : i32
            %dma_start3A_274 = arith.constant 0 : i32
            %dma_start3A_275 = tpu.memref_slice %arg6[%dma_start3A_273, %dma_start3A_274] : memref<25016x64xf32, #tpu.memory_space<vmem_shared>> -> memref<25016x64xf32, #tpu.memory_space<vmem_shared>>
            %dma_start3A_276 = tpu.memref_slice %arg14[%sub3A_105] : memref<2x!tpu.dma_semaphore, #tpu.memory_space<semaphore_mem>> -> memref<1x!tpu.dma_semaphore, #tpu.memory_space<semaphore_mem>>
            %dma_start3A_277 = tpu.memref_squeeze %dma_start3A_276 : memref<1x!tpu.dma_semaphore, #tpu.memory_space<semaphore_mem>> -> memref<!tpu.dma_semaphore, #tpu.memory_space<semaphore_mem>>
            tpu.enqueue_indirect_dma source(%dma_start3A_269 : memref<96x64xf32, #tpu.memory_space<vmem>>) target(%dma_start3A_275 : memref<25016x64xf32, #tpu.memory_space<vmem_shared>>) offsets(%dma_start3A_272 : memref<96xi32, #tpu.memory_space<vmem>>) semaphore(%dma_start3A_277 : memref<!tpu.dma_semaphore, #tpu.memory_space<semaphore_mem>>) {add = true}
          } else {
          }
          %sub3A_211 = arith.constant 96 : i32
          %sub3A_212 = arith.subi %add3A_93, %sub3A_211 : i32
          %get3A_213 = arith.constant 96 : index
          %get3A_214 = tpu.vector_load %arg8[%get3A_213] {strides = array<i32>} : memref<128xi32, #tpu.memory_space<vmem>>, vector<16xi32>,
          %get3A_215 = arith.constant 96 : index
          %get3A_216 = tpu.vector_load %arg9[%get3A_215] {strides = array<i32>} : memref<128xi32, #tpu.memory_space<vmem>>, vector<16xi32>,
          %swap3A_217 = arith.constant 0 : index
          %swap3A_218 = tpu.vector_load %arg8[%swap3A_217] {strides = array<i32>} : memref<128xi32, #tpu.memory_space<vmem>>, vector<16xi32>,
          tpu.vector_store %arg8[%swap3A_217], %add3A_1 {strides = array<i32>} : memref<128xi32, #tpu.memory_space<vmem>>, vector<16xi32>,
          %swap3A_219 = arith.constant 0 : index
          %swap3A_220 = tpu.vector_load %arg9[%swap3A_219] {strides = array<i32>} : memref<128xi32, #tpu.memory_space<vmem>>, vector<16xi32>,
          tpu.vector_store %arg9[%swap3A_219], %iota3A {strides = array<i32>} : memref<128xi32, #tpu.memory_space<vmem>>, vector<16xi32>,
          %swap3A_221 = arith.constant 16 : index
          %swap3A_222 = tpu.vector_load %arg8[%swap3A_221] {strides = array<i32>} : memref<128xi32, #tpu.memory_space<vmem>>, vector<16xi32>,
          tpu.vector_store %arg8[%swap3A_221], %add3A_1 {strides = array<i32>} : memref<128xi32, #tpu.memory_space<vmem>>, vector<16xi32>,
          %swap3A_223 = arith.constant 16 : index
          %swap3A_224 = tpu.vector_load %arg9[%swap3A_223] {strides = array<i32>} : memref<128xi32, #tpu.memory_space<vmem>>, vector<16xi32>,
          tpu.vector_store %arg9[%swap3A_223], %iota3A {strides = array<i32>} : memref<128xi32, #tpu.memory_space<vmem>>, vector<16xi32>,
          %swap3A_225 = arith.constant 32 : index
          %swap3A_226 = tpu.vector_load %arg8[%swap3A_225] {strides = array<i32>} : memref<128xi32, #tpu.memory_space<vmem>>, vector<16xi32>,
          tpu.vector_store %arg8[%swap3A_225], %add3A_1 {strides = array<i32>} : memref<128xi32, #tpu.memory_space<vmem>>, vector<16xi32>,
          %swap3A_227 = arith.constant 32 : index
          %swap3A_228 = tpu.vector_load %arg9[%swap3A_227] {strides = array<i32>} : memref<128xi32, #tpu.memory_space<vmem>>, vector<16xi32>,
          tpu.vector_store %arg9[%swap3A_227], %iota3A {strides = array<i32>} : memref<128xi32, #tpu.memory_space<vmem>>, vector<16xi32>,
          %swap3A_229 = arith.constant 48 : index
          %swap3A_230 = tpu.vector_load %arg8[%swap3A_229] {strides = array<i32>} : memref<128xi32, #tpu.memory_space<vmem>>, vector<16xi32>,
          tpu.vector_store %arg8[%swap3A_229], %add3A_1 {strides = array<i32>} : memref<128xi32, #tpu.memory_space<vmem>>, vector<16xi32>,
          %swap3A_231 = arith.constant 48 : index
          %swap3A_232 = tpu.vector_load %arg9[%swap3A_231] {strides = array<i32>} : memref<128xi32, #tpu.memory_space<vmem>>, vector<16xi32>,
          tpu.vector_store %arg9[%swap3A_231], %iota3A {strides = array<i32>} : memref<128xi32, #tpu.memory_space<vmem>>, vector<16xi32>,
          %swap3A_233 = arith.constant 64 : index
          %swap3A_234 = tpu.vector_load %arg8[%swap3A_233] {strides = array<i32>} : memref<128xi32, #tpu.memory_space<vmem>>, vector<16xi32>,
          tpu.vector_store %arg8[%swap3A_233], %add3A_1 {strides = array<i32>} : memref<128xi32, #tpu.memory_space<vmem>>, vector<16xi32>,
          %swap3A_235 = arith.constant 64 : index
          %swap3A_236 = tpu.vector_load %arg9[%swap3A_235] {strides = array<i32>} : memref<128xi32, #tpu.memory_space<vmem>>, vector<16xi32>,
          tpu.vector_store %arg9[%swap3A_235], %iota3A {strides = array<i32>} : memref<128xi32, #tpu.memory_space<vmem>>, vector<16xi32>,
          %swap3A_237 = arith.constant 80 : index
          %swap3A_238 = tpu.vector_load %arg8[%swap3A_237] {strides = array<i32>} : memref<128xi32, #tpu.memory_space<vmem>>, vector<16xi32>,
          tpu.vector_store %arg8[%swap3A_237], %add3A_1 {strides = array<i32>} : memref<128xi32, #tpu.memory_space<vmem>>, vector<16xi32>,
          %swap3A_239 = arith.constant 80 : index
          %swap3A_240 = tpu.vector_load %arg9[%swap3A_239] {strides = array<i32>} : memref<128xi32, #tpu.memory_space<vmem>>, vector<16xi32>,
          tpu.vector_store %arg9[%swap3A_239], %iota3A {strides = array<i32>} : memref<128xi32, #tpu.memory_space<vmem>>, vector<16xi32>,
          %swap3A_241 = arith.constant 96 : index
          %swap3A_242 = tpu.vector_load %arg8[%swap3A_241] {strides = array<i32>} : memref<128xi32, #tpu.memory_space<vmem>>, vector<16xi32>,
          tpu.vector_store %arg8[%swap3A_241], %add3A_1 {strides = array<i32>} : memref<128xi32, #tpu.memory_space<vmem>>, vector<16xi32>,
          %swap3A_243 = arith.constant 96 : index
          %swap3A_244 = tpu.vector_load %arg9[%swap3A_243] {strides = array<i32>} : memref<128xi32, #tpu.memory_space<vmem>>, vector<16xi32>,
          tpu.vector_store %arg9[%swap3A_243], %iota3A {strides = array<i32>} : memref<128xi32, #tpu.memory_space<vmem>>, vector<16xi32>,
          %lt3A_245 = vector.broadcast %sub3A_212 : i32 to vector<16xi32>
          %lt3A_246 = arith.cmpi slt, %iota3A, %lt3A_245 : vector<16xi32>
          %add3A_247 = arith.constant 112 : i32
          %add3A_248 = vector.broadcast %add3A_247 : i32 to vector<16xi32>
          %add3A_249 = arith.addi %add3A_248, %iota3A : vector<16xi32>
          %select_n3A_250 = arith.select %lt3A_246, %iota3A, %add3A_249 : vector<16xi1>, vector<16xi32>
          tpu.vector_store_idx %arg8[%select_n3A_250], %get3A_214 : memref<128xi32, #tpu.memory_space<vmem>>[vector<16xi32>], vector<16xi32>,
          tpu.vector_store_idx %arg9[%select_n3A_250], %get3A_216 : memref<128xi32, #tpu.memory_space<vmem>>[vector<16xi32>], vector<16xi32>,
          %add3A_251 = vector.broadcast %sub3A_212 : i32 to vector<16xi32>
          %add3A_252 = arith.addi %add3A_251, %iota3A : vector<16xi32>
          tpu.vector_store_idx %arg8[%add3A_252], %add3A_1 : memref<128xi32, #tpu.memory_space<vmem>>[vector<16xi32>], vector<16xi32>,
          %add3A_253 = vector.broadcast %sub3A_212 : i32 to vector<16xi32>
          %add3A_254 = arith.addi %add3A_253, %iota3A : vector<16xi32>
          tpu.vector_store_idx %arg9[%add3A_254], %iota3A : memref<128xi32, #tpu.memory_space<vmem>>[vector<16xi32>], vector<16xi32>,
        } else {
        }
        %sub3A = arith.constant 96 : i32
        %sub3A_99 = arith.subi %add3A_93, %sub3A : i32
        %select_n3A = arith.select %ge3A_95, %sub3A_99, %add3A_93 : i32
        %convert_element_type3A_100 = arith.extui %ge3A_95 : i1 to i32
        %add3A_101 = arith.addi %scan3A_79, %convert_element_type3A_100 : i32
        scf.yield %select_n3A, %add3A_101 : i32, i32
      }
      %scan3A_54 = arith.constant 1024 : i32
      %add3A_55 = vector.broadcast %scan3A_53#0 : i32 to vector<16xi32>
      %add3A_56 = arith.addi %add3A_55, %iota3A : vector<16xi32>
      tpu.vector_store_idx %arg8[%add3A_56], %add3A_1 : memref<128xi32, #tpu.memory_space<vmem>>[vector<16xi32>], vector<16xi32>,
      %add3A_57 = vector.broadcast %scan3A_53#0 : i32 to vector<16xi32>
      %add3A_58 = arith.addi %add3A_57, %iota3A : vector<16xi32>
      tpu.vector_store_idx %arg9[%add3A_58], %iota3A : memref<128xi32, #tpu.memory_space<vmem>>[vector<16xi32>], vector<16xi32>,
      %gt3A = arith.constant 0 : i32
      %gt3A_59 = arith.cmpi sgt, %scan3A_53#0, %gt3A : i32
      %convert_element_type3A = arith.extui %gt3A_59 : i1 to i32
      %cond3A = arith.constant 0 : i32
      %cond3A_60 = arith.cmpi ne, %convert_element_type3A, %cond3A : i32
      scf.if %cond3A_60 {
        %and3A = arith.constant 1 : i32
        %and3A_77 = arith.andi %scan3A_53#1, %and3A : i32
        %sub3A = arith.constant 1 : i32
        %sub3A_78 = arith.subi %sub3A, %and3A_77 : i32
        %ge3A_79 = arith.constant 2 : i32
        %ge3A_80 = arith.cmpi sge, %scan3A_53#1, %ge3A_79 : i32
        %convert_element_type3A_81 = arith.extui %ge3A_80 : i1 to i32
        %cond3A_82 = arith.constant 0 : i32
        %cond3A_83 = arith.cmpi ne, %convert_element_type3A_81, %cond3A_82 : i32
        scf.if %cond3A_83 {
          %dma_wait3A = arith.constant 0 : i32
          %dma_wait3A_183 = arith.constant 0 : i32
          %dma_wait3A_184 = tpu.memref_slice %arg12[%and3A_77, %dma_wait3A, %dma_wait3A_183] : memref<2x96x64xf32, #tpu.memory_space<vmem>> -> memref<1x96x64xf32, #tpu.memory_space<vmem>>
          %dma_wait3A_185 = tpu.memref_squeeze %dma_wait3A_184 : memref<1x96x64xf32, #tpu.memory_space<vmem>> -> memref<96x64xf32, #tpu.memory_space<vmem>>
          %dma_wait3A_186 = arith.constant 0 : i32
          %dma_wait3A_187 = tpu.memref_slice %arg10[%and3A_77, %dma_wait3A_186] : memref<2x96xi32, #tpu.memory_space<vmem>> -> memref<1x96xi32, #tpu.memory_space<vmem>>
          %dma_wait3A_188 = tpu.memref_squeeze %dma_wait3A_187 : memref<1x96xi32, #tpu.memory_space<vmem>> -> memref<96xi32, #tpu.memory_space<vmem>>
          %dma_wait3A_189 = arith.constant 0 : i32
          %dma_wait3A_190 = arith.constant 0 : i32
          %dma_wait3A_191 = tpu.memref_slice %arg6[%dma_wait3A_189, %dma_wait3A_190] : memref<25016x64xf32, #tpu.memory_space<vmem_shared>> -> memref<25016x64xf32, #tpu.memory_space<vmem_shared>>
          %dma_wait3A_192 = tpu.memref_slice %arg14[%and3A_77] : memref<2x!tpu.dma_semaphore, #tpu.memory_space<semaphore_mem>> -> memref<1x!tpu.dma_semaphore, #tpu.memory_space<semaphore_mem>>
          %dma_wait3A_193 = tpu.memref_squeeze %dma_wait3A_192 : memref<1x!tpu.dma_semaphore, #tpu.memory_space<semaphore_mem>> -> memref<!tpu.dma_semaphore, #tpu.memory_space<semaphore_mem>>
          tpu.wait_indirect_dma semaphore(%dma_wait3A_193 : memref<!tpu.dma_semaphore, #tpu.memory_space<semaphore_mem>>) src(%dma_wait3A_185 : memref<96x64xf32, #tpu.memory_space<vmem>>) dst(%dma_wait3A_191 : memref<25016x64xf32, #tpu.memory_space<vmem_shared>>)
        } else {
        }
        %get3A = arith.constant 0 : index
        %get3A_84 = tpu.vector_load %arg8[%get3A] {strides = array<i32>} : memref<128xi32, #tpu.memory_space<vmem>>, vector<16xi32>,
        %swap3A_85 = arith.constant 0 : i32
        %swap3A_86 = tpu.memref_slice %arg10[%and3A_77, %swap3A_85] : memref<2x96xi32, #tpu.memory_space<vmem>> -> memref<1x96xi32, #tpu.memory_space<vmem>>
        %swap3A_87 = tpu.memref_squeeze %swap3A_86 : memref<1x96xi32, #tpu.memory_space<vmem>> -> memref<96xi32, #tpu.memory_space<vmem>>
        %swap3A_88 = arith.constant 0 : index
        %swap3A_89 = tpu.vector_load %swap3A_87[%swap3A_88] {strides = array<i32>} : memref<96xi32, #tpu.memory_space<vmem>>, vector<16xi32>,
        tpu.vector_store %swap3A_87[%swap3A_88], %get3A_84 {strides = array<i32>} : memref<96xi32, #tpu.memory_space<vmem>>, vector<16xi32>,
        %get3A_90 = arith.constant 0 : index
        %get3A_91 = tpu.vector_load %arg9[%get3A_90] {strides = array<i32>} : memref<128xi32, #tpu.memory_space<vmem>>, vector<16xi32>,
        %swap3A_92 = arith.constant 0 : i32
        %swap3A_93 = tpu.memref_slice %arg11[%and3A_77, %swap3A_92] : memref<2x96xi32, #tpu.memory_space<vmem>> -> memref<1x96xi32, #tpu.memory_space<vmem>>
        %swap3A_94 = tpu.memref_squeeze %swap3A_93 : memref<1x96xi32, #tpu.memory_space<vmem>> -> memref<96xi32, #tpu.memory_space<vmem>>
        %swap3A_95 = arith.constant 0 : index
        %swap3A_96 = tpu.vector_load %swap3A_94[%swap3A_95] {strides = array<i32>} : memref<96xi32, #tpu.memory_space<vmem>>, vector<16xi32>,
        tpu.vector_store %swap3A_94[%swap3A_95], %get3A_91 {strides = array<i32>} : memref<96xi32, #tpu.memory_space<vmem>>, vector<16xi32>,
        %get3A_97 = arith.constant 16 : index
        %get3A_98 = tpu.vector_load %arg8[%get3A_97] {strides = array<i32>} : memref<128xi32, #tpu.memory_space<vmem>>, vector<16xi32>,
        %swap3A_99 = arith.constant 0 : i32
        %swap3A_100 = tpu.memref_slice %arg10[%and3A_77, %swap3A_99] : memref<2x96xi32, #tpu.memory_space<vmem>> -> memref<1x96xi32, #tpu.memory_space<vmem>>
        %swap3A_101 = tpu.memref_squeeze %swap3A_100 : memref<1x96xi32, #tpu.memory_space<vmem>> -> memref<96xi32, #tpu.memory_space<vmem>>
        %swap3A_102 = arith.constant 16 : index
        %swap3A_103 = tpu.vector_load %swap3A_101[%swap3A_102] {strides = array<i32>} : memref<96xi32, #tpu.memory_space<vmem>>, vector<16xi32>,
        tpu.vector_store %swap3A_101[%swap3A_102], %get3A_98 {strides = array<i32>} : memref<96xi32, #tpu.memory_space<vmem>>, vector<16xi32>,
        %get3A_104 = arith.constant 16 : index
        %get3A_105 = tpu.vector_load %arg9[%get3A_104] {strides = array<i32>} : memref<128xi32, #tpu.memory_space<vmem>>, vector<16xi32>,
        %swap3A_106 = arith.constant 0 : i32
        %swap3A_107 = tpu.memref_slice %arg11[%and3A_77, %swap3A_106] : memref<2x96xi32, #tpu.memory_space<vmem>> -> memref<1x96xi32, #tpu.memory_space<vmem>>
        %swap3A_108 = tpu.memref_squeeze %swap3A_107 : memref<1x96xi32, #tpu.memory_space<vmem>> -> memref<96xi32, #tpu.memory_space<vmem>>
        %swap3A_109 = arith.constant 16 : index
        %swap3A_110 = tpu.vector_load %swap3A_108[%swap3A_109] {strides = array<i32>} : memref<96xi32, #tpu.memory_space<vmem>>, vector<16xi32>,
        tpu.vector_store %swap3A_108[%swap3A_109], %get3A_105 {strides = array<i32>} : memref<96xi32, #tpu.memory_space<vmem>>, vector<16xi32>,
        %get3A_111 = arith.constant 32 : index
        %get3A_112 = tpu.vector_load %arg8[%get3A_111] {strides = array<i32>} : memref<128xi32, #tpu.memory_space<vmem>>, vector<16xi32>,
        %swap3A_113 = arith.constant 0 : i32
        %swap3A_114 = tpu.memref_slice %arg10[%and3A_77, %swap3A_113] : memref<2x96xi32, #tpu.memory_space<vmem>> -> memref<1x96xi32, #tpu.memory_space<vmem>>
        %swap3A_115 = tpu.memref_squeeze %swap3A_114 : memref<1x96xi32, #tpu.memory_space<vmem>> -> memref<96xi32, #tpu.memory_space<vmem>>
        %swap3A_116 = arith.constant 32 : index
        %swap3A_117 = tpu.vector_load %swap3A_115[%swap3A_116] {strides = array<i32>} : memref<96xi32, #tpu.memory_space<vmem>>, vector<16xi32>,
        tpu.vector_store %swap3A_115[%swap3A_116], %get3A_112 {strides = array<i32>} : memref<96xi32, #tpu.memory_space<vmem>>, vector<16xi32>,
        %get3A_118 = arith.constant 32 : index
        %get3A_119 = tpu.vector_load %arg9[%get3A_118] {strides = array<i32>} : memref<128xi32, #tpu.memory_space<vmem>>, vector<16xi32>,
        %swap3A_120 = arith.constant 0 : i32
        %swap3A_121 = tpu.memref_slice %arg11[%and3A_77, %swap3A_120] : memref<2x96xi32, #tpu.memory_space<vmem>> -> memref<1x96xi32, #tpu.memory_space<vmem>>
        %swap3A_122 = tpu.memref_squeeze %swap3A_121 : memref<1x96xi32, #tpu.memory_space<vmem>> -> memref<96xi32, #tpu.memory_space<vmem>>
        %swap3A_123 = arith.constant 32 : index
        %swap3A_124 = tpu.vector_load %swap3A_122[%swap3A_123] {strides = array<i32>} : memref<96xi32, #tpu.memory_space<vmem>>, vector<16xi32>,
        tpu.vector_store %swap3A_122[%swap3A_123], %get3A_119 {strides = array<i32>} : memref<96xi32, #tpu.memory_space<vmem>>, vector<16xi32>,
        %get3A_125 = arith.constant 48 : index
        %get3A_126 = tpu.vector_load %arg8[%get3A_125] {strides = array<i32>} : memref<128xi32, #tpu.memory_space<vmem>>, vector<16xi32>,
        %swap3A_127 = arith.constant 0 : i32
        %swap3A_128 = tpu.memref_slice %arg10[%and3A_77, %swap3A_127] : memref<2x96xi32, #tpu.memory_space<vmem>> -> memref<1x96xi32, #tpu.memory_space<vmem>>
        %swap3A_129 = tpu.memref_squeeze %swap3A_128 : memref<1x96xi32, #tpu.memory_space<vmem>> -> memref<96xi32, #tpu.memory_space<vmem>>
        %swap3A_130 = arith.constant 48 : index
        %swap3A_131 = tpu.vector_load %swap3A_129[%swap3A_130] {strides = array<i32>} : memref<96xi32, #tpu.memory_space<vmem>>, vector<16xi32>,
        tpu.vector_store %swap3A_129[%swap3A_130], %get3A_126 {strides = array<i32>} : memref<96xi32, #tpu.memory_space<vmem>>, vector<16xi32>,
        %get3A_132 = arith.constant 48 : index
        %get3A_133 = tpu.vector_load %arg9[%get3A_132] {strides = array<i32>} : memref<128xi32, #tpu.memory_space<vmem>>, vector<16xi32>,
        %swap3A_134 = arith.constant 0 : i32
        %swap3A_135 = tpu.memref_slice %arg11[%and3A_77, %swap3A_134] : memref<2x96xi32, #tpu.memory_space<vmem>> -> memref<1x96xi32, #tpu.memory_space<vmem>>
        %swap3A_136 = tpu.memref_squeeze %swap3A_135 : memref<1x96xi32, #tpu.memory_space<vmem>> -> memref<96xi32, #tpu.memory_space<vmem>>
        %swap3A_137 = arith.constant 48 : index
        %swap3A_138 = tpu.vector_load %swap3A_136[%swap3A_137] {strides = array<i32>} : memref<96xi32, #tpu.memory_space<vmem>>, vector<16xi32>,
        tpu.vector_store %swap3A_136[%swap3A_137], %get3A_133 {strides = array<i32>} : memref<96xi32, #tpu.memory_space<vmem>>, vector<16xi32>,
        %get3A_139 = arith.constant 64 : index
        %get3A_140 = tpu.vector_load %arg8[%get3A_139] {strides = array<i32>} : memref<128xi32, #tpu.memory_space<vmem>>, vector<16xi32>,
        %swap3A_141 = arith.constant 0 : i32
        %swap3A_142 = tpu.memref_slice %arg10[%and3A_77, %swap3A_141] : memref<2x96xi32, #tpu.memory_space<vmem>> -> memref<1x96xi32, #tpu.memory_space<vmem>>
        %swap3A_143 = tpu.memref_squeeze %swap3A_142 : memref<1x96xi32, #tpu.memory_space<vmem>> -> memref<96xi32, #tpu.memory_space<vmem>>
        %swap3A_144 = arith.constant 64 : index
        %swap3A_145 = tpu.vector_load %swap3A_143[%swap3A_144] {strides = array<i32>} : memref<96xi32, #tpu.memory_space<vmem>>, vector<16xi32>,
        tpu.vector_store %swap3A_143[%swap3A_144], %get3A_140 {strides = array<i32>} : memref<96xi32, #tpu.memory_space<vmem>>, vector<16xi32>,
        %get3A_146 = arith.constant 64 : index
        %get3A_147 = tpu.vector_load %arg9[%get3A_146] {strides = array<i32>} : memref<128xi32, #tpu.memory_space<vmem>>, vector<16xi32>,
        %swap3A_148 = arith.constant 0 : i32
        %swap3A_149 = tpu.memref_slice %arg11[%and3A_77, %swap3A_148] : memref<2x96xi32, #tpu.memory_space<vmem>> -> memref<1x96xi32, #tpu.memory_space<vmem>>
        %swap3A_150 = tpu.memref_squeeze %swap3A_149 : memref<1x96xi32, #tpu.memory_space<vmem>> -> memref<96xi32, #tpu.memory_space<vmem>>
        %swap3A_151 = arith.constant 64 : index
        %swap3A_152 = tpu.vector_load %swap3A_150[%swap3A_151] {strides = array<i32>} : memref<96xi32, #tpu.memory_space<vmem>>, vector<16xi32>,
        tpu.vector_store %swap3A_150[%swap3A_151], %get3A_147 {strides = array<i32>} : memref<96xi32, #tpu.memory_space<vmem>>, vector<16xi32>,
        %get3A_153 = arith.constant 80 : index
        %get3A_154 = tpu.vector_load %arg8[%get3A_153] {strides = array<i32>} : memref<128xi32, #tpu.memory_space<vmem>>, vector<16xi32>,
        %swap3A_155 = arith.constant 0 : i32
        %swap3A_156 = tpu.memref_slice %arg10[%and3A_77, %swap3A_155] : memref<2x96xi32, #tpu.memory_space<vmem>> -> memref<1x96xi32, #tpu.memory_space<vmem>>
        %swap3A_157 = tpu.memref_squeeze %swap3A_156 : memref<1x96xi32, #tpu.memory_space<vmem>> -> memref<96xi32, #tpu.memory_space<vmem>>
        %swap3A_158 = arith.constant 80 : index
        %swap3A_159 = tpu.vector_load %swap3A_157[%swap3A_158] {strides = array<i32>} : memref<96xi32, #tpu.memory_space<vmem>>, vector<16xi32>,
        tpu.vector_store %swap3A_157[%swap3A_158], %get3A_154 {strides = array<i32>} : memref<96xi32, #tpu.memory_space<vmem>>, vector<16xi32>,
        %get3A_160 = arith.constant 80 : index
        %get3A_161 = tpu.vector_load %arg9[%get3A_160] {strides = array<i32>} : memref<128xi32, #tpu.memory_space<vmem>>, vector<16xi32>,
        %swap3A_162 = arith.constant 0 : i32
        %swap3A_163 = tpu.memref_slice %arg11[%and3A_77, %swap3A_162] : memref<2x96xi32, #tpu.memory_space<vmem>> -> memref<1x96xi32, #tpu.memory_space<vmem>>
        %swap3A_164 = tpu.memref_squeeze %swap3A_163 : memref<1x96xi32, #tpu.memory_space<vmem>> -> memref<96xi32, #tpu.memory_space<vmem>>
        %swap3A_165 = arith.constant 80 : index
        %swap3A_166 = tpu.vector_load %swap3A_164[%swap3A_165] {strides = array<i32>} : memref<96xi32, #tpu.memory_space<vmem>>, vector<16xi32>,
        tpu.vector_store %swap3A_164[%swap3A_165], %get3A_161 {strides = array<i32>} : memref<96xi32, #tpu.memory_space<vmem>>, vector<16xi32>,
        %dma_start3A = arith.constant 0 : i32
        %dma_start3A_167 = arith.constant 0 : i32
        %dma_start3A_168 = tpu.memref_slice %arg12[%and3A_77, %dma_start3A, %dma_start3A_167] : memref<2x96x64xf32, #tpu.memory_space<vmem>> -> memref<1x96x64xf32, #tpu.memory_space<vmem>>
        %dma_start3A_169 = tpu.memref_squeeze %dma_start3A_168 : memref<1x96x64xf32, #tpu.memory_space<vmem>> -> memref<96x64xf32, #tpu.memory_space<vmem>>
        %dma_start3A_170 = arith.constant 0 : i32
        %dma_start3A_171 = tpu.memref_slice %arg11[%and3A_77, %dma_start3A_170] : memref<2x96xi32, #tpu.memory_space<vmem>> -> memref<1x96xi32, #tpu.memory_space<vmem>>
        %dma_start3A_172 = tpu.memref_squeeze %dma_start3A_171 : memref<1x96xi32, #tpu.memory_space<vmem>> -> memref<96xi32, #tpu.memory_space<vmem>>
        %dma_start3A_173 = arith.constant 0 : i32
        %dma_start3A_174 = arith.constant 0 : i32
        %dma_start3A_175 = tpu.memref_slice %arg3[%dma_start3A_173, %dma_start3A_174] : memref<262144x64xf32, #tpu.memory_space<hbm>> -> memref<262144x64xf32, #tpu.memory_space<hbm>>
        %dma_start3A_176 = tpu.memref_slice %arg13[%and3A_77] : memref<2x!tpu.dma_semaphore, #tpu.memory_space<semaphore_mem>> -> memref<1x!tpu.dma_semaphore, #tpu.memory_space<semaphore_mem>>
        %dma_start3A_177 = tpu.memref_squeeze %dma_start3A_176 : memref<1x!tpu.dma_semaphore, #tpu.memory_space<semaphore_mem>> -> memref<!tpu.dma_semaphore, #tpu.memory_space<semaphore_mem>>
        tpu.enqueue_indirect_dma source(%dma_start3A_175 : memref<262144x64xf32, #tpu.memory_space<hbm>>) target(%dma_start3A_169 : memref<96x64xf32, #tpu.memory_space<vmem>>) offsets(%dma_start3A_172 : memref<96xi32, #tpu.memory_space<vmem>>) semaphore(%dma_start3A_177 : memref<!tpu.dma_semaphore, #tpu.memory_space<semaphore_mem>>)
        %ge3A_178 = arith.constant 1 : i32
        %ge3A_179 = arith.cmpi sge, %scan3A_53#1, %ge3A_178 : i32
        %convert_element_type3A_180 = arith.extui %ge3A_179 : i1 to i32
        %cond3A_181 = arith.constant 0 : i32
        %cond3A_182 = arith.cmpi ne, %convert_element_type3A_180, %cond3A_181 : i32
        scf.if %cond3A_182 {
          %dma_wait3A = arith.constant 0 : i32
          %dma_wait3A_183 = arith.constant 0 : i32
          %dma_wait3A_184 = tpu.memref_slice %arg12[%sub3A_78, %dma_wait3A, %dma_wait3A_183] : memref<2x96x64xf32, #tpu.memory_space<vmem>> -> memref<1x96x64xf32, #tpu.memory_space<vmem>>
          %dma_wait3A_185 = tpu.memref_squeeze %dma_wait3A_184 : memref<1x96x64xf32, #tpu.memory_space<vmem>> -> memref<96x64xf32, #tpu.memory_space<vmem>>
          %dma_wait3A_186 = arith.constant 0 : i32
          %dma_wait3A_187 = tpu.memref_slice %arg11[%sub3A_78, %dma_wait3A_186] : memref<2x96xi32, #tpu.memory_space<vmem>> -> memref<1x96xi32, #tpu.memory_space<vmem>>
          %dma_wait3A_188 = tpu.memref_squeeze %dma_wait3A_187 : memref<1x96xi32, #tpu.memory_space<vmem>> -> memref<96xi32, #tpu.memory_space<vmem>>
          %dma_wait3A_189 = arith.constant 0 : i32
          %dma_wait3A_190 = arith.constant 0 : i32
          %dma_wait3A_191 = tpu.memref_slice %arg3[%dma_wait3A_189, %dma_wait3A_190] : memref<262144x64xf32, #tpu.memory_space<hbm>> -> memref<262144x64xf32, #tpu.memory_space<hbm>>
          %dma_wait3A_192 = tpu.memref_slice %arg13[%sub3A_78] : memref<2x!tpu.dma_semaphore, #tpu.memory_space<semaphore_mem>> -> memref<1x!tpu.dma_semaphore, #tpu.memory_space<semaphore_mem>>
          %dma_wait3A_193 = tpu.memref_squeeze %dma_wait3A_192 : memref<1x!tpu.dma_semaphore, #tpu.memory_space<semaphore_mem>> -> memref<!tpu.dma_semaphore, #tpu.memory_space<semaphore_mem>>
          tpu.wait_indirect_dma semaphore(%dma_wait3A_193 : memref<!tpu.dma_semaphore, #tpu.memory_space<semaphore_mem>>) src(%dma_wait3A_191 : memref<262144x64xf32, #tpu.memory_space<hbm>>) dst(%dma_wait3A_185 : memref<96x64xf32, #tpu.memory_space<vmem>>)
          %dma_start3A_194 = arith.constant 0 : i32
          %dma_start3A_195 = arith.constant 0 : i32
          %dma_start3A_196 = tpu.memref_slice %arg12[%sub3A_78, %dma_start3A_194, %dma_start3A_195] : memref<2x96x64xf32, #tpu.memory_space<vmem>> -> memref<1x96x64xf32, #tpu.memory_space<vmem>>
          %dma_start3A_197 = tpu.memref_squeeze %dma_start3A_196 : memref<1x96x64xf32, #tpu.memory_space<vmem>> -> memref<96x64xf32, #tpu.memory_space<vmem>>
          %dma_start3A_198 = arith.constant 0 : i32
          %dma_start3A_199 = tpu.memref_slice %arg10[%sub3A_78, %dma_start3A_198] : memref<2x96xi32, #tpu.memory_space<vmem>> -> memref<1x96xi32, #tpu.memory_space<vmem>>
          %dma_start3A_200 = tpu.memref_squeeze %dma_start3A_199 : memref<1x96xi32, #tpu.memory_space<vmem>> -> memref<96xi32, #tpu.memory_space<vmem>>
          %dma_start3A_201 = arith.constant 0 : i32
          %dma_start3A_202 = arith.constant 0 : i32
          %dma_start3A_203 = tpu.memref_slice %arg6[%dma_start3A_201, %dma_start3A_202] : memref<25016x64xf32, #tpu.memory_space<vmem_shared>> -> memref<25016x64xf32, #tpu.memory_space<vmem_shared>>
          %dma_start3A_204 = tpu.memref_slice %arg14[%sub3A_78] : memref<2x!tpu.dma_semaphore, #tpu.memory_space<semaphore_mem>> -> memref<1x!tpu.dma_semaphore, #tpu.memory_space<semaphore_mem>>
          %dma_start3A_205 = tpu.memref_squeeze %dma_start3A_204 : memref<1x!tpu.dma_semaphore, #tpu.memory_space<semaphore_mem>> -> memref<!tpu.dma_semaphore, #tpu.memory_space<semaphore_mem>>
          tpu.enqueue_indirect_dma source(%dma_start3A_197 : memref<96x64xf32, #tpu.memory_space<vmem>>) target(%dma_start3A_203 : memref<25016x64xf32, #tpu.memory_space<vmem_shared>>) offsets(%dma_start3A_200 : memref<96xi32, #tpu.memory_space<vmem>>) semaphore(%dma_start3A_205 : memref<!tpu.dma_semaphore, #tpu.memory_space<semaphore_mem>>) {add = true}
        } else {
        }
      } else {
      }
      %gt3A_61 = arith.constant 0 : i32
      %gt3A_62 = arith.cmpi sgt, %scan3A_53#0, %gt3A_61 : i32
      %convert_element_type3A_63 = arith.extui %gt3A_62 : i1 to i32
      %add3A_64 = arith.addi %scan3A_53#1, %convert_element_type3A_63 : i32
      %ge3A = arith.constant 1 : i32
      %ge3A_65 = arith.cmpi sge, %add3A_64, %ge3A : i32
      %convert_element_type3A_66 = arith.extui %ge3A_65 : i1 to i32
      %cond3A_67 = arith.constant 0 : i32
      %cond3A_68 = arith.cmpi ne, %convert_element_type3A_66, %cond3A_67 : i32
      scf.if %cond3A_68 {
        %sub3A = arith.constant 1 : i32
        %sub3A_77 = arith.subi %add3A_64, %sub3A : i32
        %and3A = arith.constant 1 : i32
        %and3A_78 = arith.andi %sub3A_77, %and3A : i32
        %dma_wait3A = arith.constant 0 : i32
        %dma_wait3A_79 = arith.constant 0 : i32
        %dma_wait3A_80 = tpu.memref_slice %arg12[%and3A_78, %dma_wait3A, %dma_wait3A_79] : memref<2x96x64xf32, #tpu.memory_space<vmem>> -> memref<1x96x64xf32, #tpu.memory_space<vmem>>
        %dma_wait3A_81 = tpu.memref_squeeze %dma_wait3A_80 : memref<1x96x64xf32, #tpu.memory_space<vmem>> -> memref<96x64xf32, #tpu.memory_space<vmem>>
        %dma_wait3A_82 = arith.constant 0 : i32
        %dma_wait3A_83 = tpu.memref_slice %arg11[%and3A_78, %dma_wait3A_82] : memref<2x96xi32, #tpu.memory_space<vmem>> -> memref<1x96xi32, #tpu.memory_space<vmem>>
        %dma_wait3A_84 = tpu.memref_squeeze %dma_wait3A_83 : memref<1x96xi32, #tpu.memory_space<vmem>> -> memref<96xi32, #tpu.memory_space<vmem>>
        %dma_wait3A_85 = arith.constant 0 : i32
        %dma_wait3A_86 = arith.constant 0 : i32
        %dma_wait3A_87 = tpu.memref_slice %arg3[%dma_wait3A_85, %dma_wait3A_86] : memref<262144x64xf32, #tpu.memory_space<hbm>> -> memref<262144x64xf32, #tpu.memory_space<hbm>>
        %dma_wait3A_88 = tpu.memref_slice %arg13[%and3A_78] : memref<2x!tpu.dma_semaphore, #tpu.memory_space<semaphore_mem>> -> memref<1x!tpu.dma_semaphore, #tpu.memory_space<semaphore_mem>>
        %dma_wait3A_89 = tpu.memref_squeeze %dma_wait3A_88 : memref<1x!tpu.dma_semaphore, #tpu.memory_space<semaphore_mem>> -> memref<!tpu.dma_semaphore, #tpu.memory_space<semaphore_mem>>
        tpu.wait_indirect_dma semaphore(%dma_wait3A_89 : memref<!tpu.dma_semaphore, #tpu.memory_space<semaphore_mem>>) src(%dma_wait3A_87 : memref<262144x64xf32, #tpu.memory_space<hbm>>) dst(%dma_wait3A_81 : memref<96x64xf32, #tpu.memory_space<vmem>>)
        %dma_start3A = arith.constant 0 : i32
        %dma_start3A_90 = arith.constant 0 : i32
        %dma_start3A_91 = tpu.memref_slice %arg12[%and3A_78, %dma_start3A, %dma_start3A_90] : memref<2x96x64xf32, #tpu.memory_space<vmem>> -> memref<1x96x64xf32, #tpu.memory_space<vmem>>
        %dma_start3A_92 = tpu.memref_squeeze %dma_start3A_91 : memref<1x96x64xf32, #tpu.memory_space<vmem>> -> memref<96x64xf32, #tpu.memory_space<vmem>>
        %dma_start3A_93 = arith.constant 0 : i32
        %dma_start3A_94 = tpu.memref_slice %arg10[%and3A_78, %dma_start3A_93] : memref<2x96xi32, #tpu.memory_space<vmem>> -> memref<1x96xi32, #tpu.memory_space<vmem>>
        %dma_start3A_95 = tpu.memref_squeeze %dma_start3A_94 : memref<1x96xi32, #tpu.memory_space<vmem>> -> memref<96xi32, #tpu.memory_space<vmem>>
        %dma_start3A_96 = arith.constant 0 : i32
        %dma_start3A_97 = arith.constant 0 : i32
        %dma_start3A_98 = tpu.memref_slice %arg6[%dma_start3A_96, %dma_start3A_97] : memref<25016x64xf32, #tpu.memory_space<vmem_shared>> -> memref<25016x64xf32, #tpu.memory_space<vmem_shared>>
        %dma_start3A_99 = tpu.memref_slice %arg14[%and3A_78] : memref<2x!tpu.dma_semaphore, #tpu.memory_space<semaphore_mem>> -> memref<1x!tpu.dma_semaphore, #tpu.memory_space<semaphore_mem>>
        %dma_start3A_100 = tpu.memref_squeeze %dma_start3A_99 : memref<1x!tpu.dma_semaphore, #tpu.memory_space<semaphore_mem>> -> memref<!tpu.dma_semaphore, #tpu.memory_space<semaphore_mem>>
        tpu.enqueue_indirect_dma source(%dma_start3A_92 : memref<96x64xf32, #tpu.memory_space<vmem>>) target(%dma_start3A_98 : memref<25016x64xf32, #tpu.memory_space<vmem_shared>>) offsets(%dma_start3A_95 : memref<96xi32, #tpu.memory_space<vmem>>) semaphore(%dma_start3A_100 : memref<!tpu.dma_semaphore, #tpu.memory_space<semaphore_mem>>) {add = true}
        %dma_wait3A_101 = arith.constant 0 : i32
        %dma_wait3A_102 = arith.constant 0 : i32
        %dma_wait3A_103 = tpu.memref_slice %arg12[%and3A_78, %dma_wait3A_101, %dma_wait3A_102] : memref<2x96x64xf32, #tpu.memory_space<vmem>> -> memref<1x96x64xf32, #tpu.memory_space<vmem>>
        %dma_wait3A_104 = tpu.memref_squeeze %dma_wait3A_103 : memref<1x96x64xf32, #tpu.memory_space<vmem>> -> memref<96x64xf32, #tpu.memory_space<vmem>>
        %dma_wait3A_105 = arith.constant 0 : i32
        %dma_wait3A_106 = tpu.memref_slice %arg10[%and3A_78, %dma_wait3A_105] : memref<2x96xi32, #tpu.memory_space<vmem>> -> memref<1x96xi32, #tpu.memory_space<vmem>>
        %dma_wait3A_107 = tpu.memref_squeeze %dma_wait3A_106 : memref<1x96xi32, #tpu.memory_space<vmem>> -> memref<96xi32, #tpu.memory_space<vmem>>
        %dma_wait3A_108 = arith.constant 0 : i32
        %dma_wait3A_109 = arith.constant 0 : i32
        %dma_wait3A_110 = tpu.memref_slice %arg6[%dma_wait3A_108, %dma_wait3A_109] : memref<25016x64xf32, #tpu.memory_space<vmem_shared>> -> memref<25016x64xf32, #tpu.memory_space<vmem_shared>>
        %dma_wait3A_111 = tpu.memref_slice %arg14[%and3A_78] : memref<2x!tpu.dma_semaphore, #tpu.memory_space<semaphore_mem>> -> memref<1x!tpu.dma_semaphore, #tpu.memory_space<semaphore_mem>>
        %dma_wait3A_112 = tpu.memref_squeeze %dma_wait3A_111 : memref<1x!tpu.dma_semaphore, #tpu.memory_space<semaphore_mem>> -> memref<!tpu.dma_semaphore, #tpu.memory_space<semaphore_mem>>
        tpu.wait_indirect_dma semaphore(%dma_wait3A_112 : memref<!tpu.dma_semaphore, #tpu.memory_space<semaphore_mem>>) src(%dma_wait3A_104 : memref<96x64xf32, #tpu.memory_space<vmem>>) dst(%dma_wait3A_110 : memref<25016x64xf32, #tpu.memory_space<vmem_shared>>)
      } else {
      }
      %ge3A_69 = arith.constant 2 : i32
      %ge3A_70 = arith.cmpi sge, %add3A_64, %ge3A_69 : i32
      %convert_element_type3A_71 = arith.extui %ge3A_70 : i1 to i32
      %cond3A_72 = arith.constant 0 : i32
      %cond3A_73 = arith.cmpi ne, %convert_element_type3A_71, %cond3A_72 : i32
      scf.if %cond3A_73 {
        %and3A = arith.constant 1 : i32
        %and3A_77 = arith.andi %add3A_64, %and3A : i32
        %dma_wait3A = arith.constant 0 : i32
        %dma_wait3A_78 = arith.constant 0 : i32
        %dma_wait3A_79 = tpu.memref_slice %arg12[%and3A_77, %dma_wait3A, %dma_wait3A_78] : memref<2x96x64xf32, #tpu.memory_space<vmem>> -> memref<1x96x64xf32, #tpu.memory_space<vmem>>
        %dma_wait3A_80 = tpu.memref_squeeze %dma_wait3A_79 : memref<1x96x64xf32, #tpu.memory_space<vmem>> -> memref<96x64xf32, #tpu.memory_space<vmem>>
        %dma_wait3A_81 = arith.constant 0 : i32
        %dma_wait3A_82 = tpu.memref_slice %arg10[%and3A_77, %dma_wait3A_81] : memref<2x96xi32, #tpu.memory_space<vmem>> -> memref<1x96xi32, #tpu.memory_space<vmem>>
        %dma_wait3A_83 = tpu.memref_squeeze %dma_wait3A_82 : memref<1x96xi32, #tpu.memory_space<vmem>> -> memref<96xi32, #tpu.memory_space<vmem>>
        %dma_wait3A_84 = arith.constant 0 : i32
        %dma_wait3A_85 = arith.constant 0 : i32
        %dma_wait3A_86 = tpu.memref_slice %arg6[%dma_wait3A_84, %dma_wait3A_85] : memref<25016x64xf32, #tpu.memory_space<vmem_shared>> -> memref<25016x64xf32, #tpu.memory_space<vmem_shared>>
        %dma_wait3A_87 = tpu.memref_slice %arg14[%and3A_77] : memref<2x!tpu.dma_semaphore, #tpu.memory_space<semaphore_mem>> -> memref<1x!tpu.dma_semaphore, #tpu.memory_space<semaphore_mem>>
        %dma_wait3A_88 = tpu.memref_squeeze %dma_wait3A_87 : memref<1x!tpu.dma_semaphore, #tpu.memory_space<semaphore_mem>> -> memref<!tpu.dma_semaphore, #tpu.memory_space<semaphore_mem>>
        tpu.wait_indirect_dma semaphore(%dma_wait3A_88 : memref<!tpu.dma_semaphore, #tpu.memory_space<semaphore_mem>>) src(%dma_wait3A_80 : memref<96x64xf32, #tpu.memory_space<vmem>>) dst(%dma_wait3A_86 : memref<25016x64xf32, #tpu.memory_space<vmem_shared>>)
      } else {
      }
      %barrier3A_74 = arith.constant 0 : index
      tpu.barrier barrier_id(%barrier3A_74)
      "tpu.region"() ({
        %run_scoped3A = tpu.sem_alloc : memref<!tpu.dma_semaphore, #tpu.memory_space<semaphore_mem>>
        %dma_start3A = arith.constant 0 : i32
        %dma_start3A_77 = tpu.memref_slice %arg5[%add3A_19, %dma_start3A] : memref<1000000x64xf32, #tpu.memory_space<hbm>> -> memref<1568x64xf32, #tpu.memory_space<hbm>>
        %dma_start3A_78 = arith.constant 0 : i32
        %dma_start3A_79 = tpu.memref_slice %arg6[%min3A_5, %dma_start3A_78] : memref<25016x64xf32, #tpu.memory_space<vmem_shared>> -> memref<1568x64xf32, #tpu.memory_space<vmem_shared>>
        tpu.enqueue_dma source(%dma_start3A_79 : memref<1568x64xf32, #tpu.memory_space<vmem_shared>>) target(%dma_start3A_77 : memref<1568x64xf32, #tpu.memory_space<hbm>>) target_semaphore(%run_scoped3A : memref<!tpu.dma_semaphore, #tpu.memory_space<semaphore_mem>>)
        %dma_wait3A = arith.constant 0 : i32
        %dma_wait3A_80 = tpu.memref_slice %arg5[%add3A_19, %dma_wait3A] : memref<1000000x64xf32, #tpu.memory_space<hbm>> -> memref<1568x64xf32, #tpu.memory_space<hbm>>
        %dma_wait3A_81 = arith.constant 0 : i32
        %dma_wait3A_82 = tpu.memref_slice %arg6[%min3A_5, %dma_wait3A_81] : memref<25016x64xf32, #tpu.memory_space<vmem_shared>> -> memref<1568x64xf32, #tpu.memory_space<vmem_shared>>
        tpu.wait_dma2 semaphore(%run_scoped3A : memref<!tpu.dma_semaphore, #tpu.memory_space<semaphore_mem>>) src(%dma_wait3A_82 : memref<1568x64xf32, #tpu.memory_space<vmem_shared>>) dst(%dma_wait3A_80 : memref<1568x64xf32, #tpu.memory_space<hbm>>)
        tpu.yield
      }) : () -> ()
      %barrier3A_75 = arith.constant 0 : index
      tpu.barrier barrier_id(%barrier3A_75)
      %scan3A_76 = arith.constant 0 : i32
      scf.yield %scan3A_76 : i32
    }
    %scan3A_11 = arith.constant 20 : i32
    return
  }
}

</mosaic_0001>

<sc_bundles>
// kernel: _scatter_add.3.cloned.1.call-start
scs
__scs_entry_jumppad:
0x0: {  	(pc) =	sbr.rel $0x88, $3  }
0x1: {  	(tag) =	ssettag $0x0;
	lr =	simm.s32 $0x1  }
0x2: {  	[smem:$0x3F9E] =	sst lr;
	_ =	strace $0xD0000000  }
0x3: {  	_ = 	snop  }
0x4: {  	_ = 	snop  }
0x5: {  	_ = 	snop  }
0x6: {  	_ = 	snop  }
0x7: {  	_ = 	snop  }
__scs_overlays_trampoline_lowered:
0x8: {  	[smem:$0x3FAD] =	sst s0  }
0x9: {  	[smem:$0x3FAE] =	sst s1  }
0xa: {  	[smem:$0x3FAF] =	sst s2  }
0xb: {  	[smem:$0x3FB0] =	sst s3  }
0xc: {  	[smem:$0x3FB1] =	sst s4  }
0xd: {  	[smem:$0x3FB2] =	sst s5  }
0xe: {  	[smem:$0x3FB3] =	sst s6  }
0xf: {  	[smem:$0x3FB4] =	sst s7  }
0x10: {  	[smem:$0x3FB5] =	sst s8  }
0x11: {  	[smem:$0x3FB6] =	sst s9;
	s0 =	simm.s32 @!p0 $0x0  }
0x12: {  	s1 =	sld [smem:$0x3F9C];
	s0 =	simm.s32 @p0 $0x1  }
0x13: {  	[smem:$0x3FB7] =	sst s0;
	s0 =	simm.s32 @!p1 $0x0  }
0x14: {  	s2 =	sld [smem:$0x3F9B];
	s0 =	simm.s32 @p1 $0x1  }
0x15: {  	[smem:$0x3FB8] =	sst s0;
	s0 =	simm.s32 @!p2 $0x0  }
0x16: {  	s3 =	sld [smem:$0x3FDB];
	s0 =	simm.s32 @p2 $0x1  }
0x17: {  	s4 =	simm.s32 $0x1BF5;
	[smem:$0x3FBA] =	sst s0  }
0x18: {  	s0 =	sld [smem:$0x3F9D];
	_ =	swait.ge [sflag:s4], $0x0  }
0x19: {  	s7 =	sld [smem:$0x3F9E]  }
0x1a: {  	s8 =	sadd.s32 $0xFFFFE003, lr  }
0x1b: {  	s9 =	sadd.s32 $0xFFFFFEF7, lr;
	s5 =	simm.s32 $0xFFFFFFFF;
	p2 =	slt.u32 s8, $0xFFFFF086  }
0x1c: {  	p1 =	slt.u32 s9, $0xF7A;
	s5 =	simm.s32 @!p2 $0x0  }
0x1d: {  	s5 =	simm.s32 @p1 $0x1;
	p0 =	seq.s32 s7, s2  }
0x1e: {  	s7 =	smul.u32 @!p0 $0xF7A, s2;
	p2 =	seq.s32 @!p0 s5, $0x0  }
0x1f: {  	s9 =	smul.u32 $0xF7A, s1;
	s8 =	simm.s32 @!p0 $0x1BF5;
	p2 =	por !p2, p0  }
0x20: {  	[sflag:s8] =	ssyncset.s32 @!p0 $0xFFFFF086;
	s6 =	sadd.s32 @!p0 s3, s7;
	s7 =	simm.s32 @!p0 $0x108  }
0x21: {  	s3 =	sadd.s32 s3, s9;
	s6 =	sadd.s32 @!p0 $0x88, s6;
	s7 =	simm.s32 @p2 $0x1082  }
0x22: {  	[simem:s7], [sflag:s8] =	dma.local @!p0 [hbm:s6], $0xF7A  }
0x23: {  	s9 =	sor.u32 $0xD0000000, s2;
	s6 =	simm.s32 $0x108;
	_ =	swait.ge @!p0 [sflag:s8], $0x0  }
0x24: {  	s3 =	sadd.s32 $0x88, s3;
	s6 =	simm.s32 @!p1 $0x1082;
	[sflag:s4] =	ssyncset.s32 $0xFFFFF086  }
0x25: {  	[simem:s6], [sflag:s4] =	dma.local [hbm:s3], $0xF7A  }
0x26: {  	[smem:$0x3F9E] =	sst s1;
	(tag) =	ssettag s2;
	_ =	strace s9  }
0x27: {  	s1 =	sld [smem:$0x3FAE]  }
0x28: {  	s2 =	sld [smem:$0x3FAF]  }
0x29: {  	s4 =	sld [smem:$0x3FB1]  }
0x2a: {  	p0 =	seq.s32 s5, $0x0;
	s5 =	sld [smem:$0x3FB2]  }
0x2b: {  	s6 =	sld [smem:$0x3FB3]  }
0x2c: {  	s7 =	sld [smem:$0x3FB4]  }
0x2d: {  	s3 =	simm.s32 $0x108;
	s8 =	sld [smem:$0x3FB5]  }
0x2e: {  	s3 =	simm.s32 @!p0 $0x1082;
	s9 =	sld [smem:$0x3FB6]  }
0x2f: {  	lr =	sadd.s32 s0, s3;
	s0 =	sld [smem:$0x3FAD]  }
0x30: {  	s3 =	sld [smem:$0x3FB0]  }
0x31: {  	[smem:$0x3FB9] =	sst s10  }
0x32: {  	s10 =	sld [smem:$0x3FB7];
	_ =	sdelay $0x3  }
0x33: {  	p0 =	seq.s32 s10, $0x1;
	s10 =	sld [smem:$0x3FB9];
	_ =	sdelay $0x3  }
0x34: {  	[smem:$0x3FB9] =	sst s10  }
0x35: {  	s10 =	sld [smem:$0x3FB8];
	_ =	sdelay $0x3  }
0x36: {  	p1 =	seq.s32 s10, $0x1;
	s10 =	sld [smem:$0x3FB9];
	_ =	sdelay $0x3  }
0x37: {  	[smem:$0x3FB9] =	sst s10  }
0x38: {  	s10 =	sld [smem:$0x3FBA]  }
0x39: {  	_ = 	snop;
	(pc) =	sbr.ind lr, $3  }
0x3a: {  	_ = 	snop  }
0x3b: {  	_ = 	snop  }
0x3c: {  	p2 =	seq.s32 s10, $0x1;
	s10 =	sld [smem:$0x3FB9]  }
0x3d: {  	_ =	shalt  }
0x3e: {  	_ =	shalt  }
0x3f: {  	_ =	shalt  }
0x40: {  	_ =	shalt  }
0x41: {  	_ =	shalt  }
0x42: {  	_ =	shalt  }
0x43: {  	_ =	shalt  }
0x44: {  	_ =	shalt  }
0x45: {  	_ =	shalt  }
0x46: {  	_ =	shalt  }
0x47: {  	_ =	shalt  }
0x48: {  	_ =	shalt  }
0x49: {  	_ =	shalt  }
0x4a: {  	_ =	shalt  }
0x4b: {  	_ =	shalt  }
0x4c: {  	_ =	shalt  }
0x4d: {  	_ =	shalt  }
0x4e: {  	_ =	shalt  }
0x4f: {  	_ =	shalt  }
0x50: {  	_ =	shalt  }
0x51: {  	_ =	shalt  }
0x52: {  	_ =	shalt  }
0x53: {  	_ =	shalt  }
0x54: {  	_ =	shalt  }
0x55: {  	_ =	shalt  }
0x56: {  	_ =	shalt  }
0x57: {  	_ =	shalt  }
0x58: {  	_ =	shalt  }
0x59: {  	_ =	shalt  }
0x5a: {  	_ =	shalt  }
0x5b: {  	_ =	shalt  }
0x5c: {  	_ =	shalt  }
0x5d: {  	_ =	shalt  }
0x5e: {  	_ =	shalt  }
0x5f: {  	_ =	shalt  }
0x60: {  	_ =	shalt  }
0x61: {  	_ =	shalt  }
0x62: {  	_ =	shalt  }
0x63: {  	_ =	shalt  }
0x64: {  	_ =	shalt  }
0x65: {  	_ =	shalt  }
0x66: {  	_ =	shalt  }
0x67: {  	_ =	shalt  }
0x68: {  	_ =	shalt  }
0x69: {  	_ =	shalt  }
0x6a: {  	_ =	shalt  }
0x6b: {  	_ =	shalt  }
0x6c: {  	_ =	shalt  }
0x6d: {  	_ =	shalt  }
0x6e: {  	_ =	shalt  }
0x6f: {  	_ =	shalt  }
0x70: {  	_ =	shalt  }
0x71: {  	_ =	shalt  }
0x72: {  	_ =	shalt  }
0x73: {  	_ =	shalt  }
0x74: {  	_ =	shalt  }
0x75: {  	_ =	shalt  }
0x76: {  	_ =	shalt  }
0x77: {  	_ =	shalt  }
0x78: {  	_ =	shalt  }
0x79: {  	_ =	shalt  }
0x7a: {  	_ =	shalt  }
0x7b: {  	_ =	shalt  }
0x7c: {  	_ =	shalt  }
0x7d: {  	_ =	shalt  }
0x7e: {  	_ =	shalt  }
0x7f: {  	_ =	shalt  }
0x80: {  	_ =	shalt  }
0x81: {  	_ =	shalt  }
0x82: {  	_ =	shalt  }
0x83: {  	_ =	shalt  }
0x84: {  	_ =	shalt  }
0x85: {  	_ =	shalt  }
0x86: {  	_ =	shalt  }
0x87: {  	_ =	shalt  }
.Lfunc_end0:
.L_simem_size_0:
called_computation.1_lowered:
.L_overlay_start_0:
0x88: {  	s2 =	sld [smem:$0x3FD9]  }
0x89: {  	s3 =	sld [smem:$0x3FFE];
	_ =	sdelay $0x1  }
0x8a: {  	s1 =	srdreg.scid  }
0x8b: {  	s0 =	sand.u32 $0x1, s1  }
0x8c: {  	s17 =	sshll.u32 s0, $0xA;
	s2 =	sadd.s32 s3, s2  }
0x8d: {  	s2 =	sadd.s32 s2, s17  }
0x8e: {  	[smem:$0x3FC5] =	sst s2  }
0x8f: {  	_ = 	snop  }
0x90: {  	s2 =	sld [smem:$0x3FC7]  }
0x91: {  	s18 =	sld [smem:$0x3FD0];
	(tm) =	ssettm $0x1  }
0x92: {  	s4 =	sld [smem:$0x3FFB];
	_ =	sdelay $0x3  }
0x93: {  	_ =	strace s4  }
0x94: {  	s4 =	sld [smem:$0x3FFC];
	_ =	sdelay $0x3  }
0x95: {  	_ =	strace s4  }
0x96: {  	s4 =	sld [smem:$0x3FFD];
	_ =	sdelay $0x3  }
0x97: {  	_ =	strace s4  }
0x98: {  	_ =	strace $0x8FFFFFFF  }
0x99: {  	s19 =	sld [smem:$0x3FDB];
	_ =	sdelay $0x1  }
0x9a: {  	s5 =	simm.s32 $_scs_section_size  }
0x9b: {  	s6 =	simm.s32 $_size__tile_overlayer_lowered;
	s7 =	simm.s32 $_tile_overlayer_lowered  }
0x9c: {  	s22 =	simm.s32 $0x1BFF;
	s21 =	sshll.u32 s7, $0x1;
	s4 =	sadd.s32 s5, s19  }
0x9d: {  	s8 =	simm.s32 $0x0;
	s20 =	sshll.u32 s6, $0x1;
	s6 =	sadd.s32 s21, s4  }
0x9e: {  	[timem:s8], [sflag:s22] =	dma.local [hbm:s6], s20  }
0x9f: {  	_ =	swait.ge [sflag:s22], s20  }
0xa0: {  	s5 =	ssub.s32 $0x0, s20;
	[sflag:s22] =	ssyncset.done $0x0  }
0xa1: {  	[sflag:s22] =	ssyncadd.s32 s5;
	_ =	sdelay $0x1  }
0xa2: {  	s23 =	simm.s32 $0x1B8B  }
0xa3: {  	_ =	swait.ge [sflag:s23], $0x1  }
0xa4: {  	[sflag:s23] =	ssyncset.done $0x0  }
0xa5: {  	s25 =	simm.s32 $0x1B8E;
	s24 =	sld [smem:$0x3FFE];
	[sflag:s23] =	ssyncadd.s32 $0xFFFFFFFF  }
0xa6: {  	s26 =	simm.s32 $execute0_lowered;
	[smem:$0x3FD2] =	sst s25  }
0xa7: {  	s6 =	sshll.u32 s26, $0x1;
	_ =	strace $0x80000046;
	[dreg:$0x1] =	wrdreg $0xFFFFFFFF  }
0xa8: {  	s28 =	simm.s32 $_size_execute0_lowered;
	s4 =	sadd.s32 s4, s6;
	[dreg:$0x0] =	wrdreg $0x0  }
0xa9: {  	s6 =	sshll.u32 s28, $0x1;
	[dreg:$0x2] =	wrdreg s4  }
0xaa: {  	[dreg:$0x3] =	wrdreg s6  }
0xab: {  	[dreg:$0x4] =	wrdreg $0xC0  }
0xac: {  	_ =	task [dreg:s8], $0x5FFFF  }
0xad: {  	[dreg:$0x1] =	wrdreg $0xFFFFFFFF  }
0xae: {  	[dreg:$0x0] =	wrdreg $0x60  }
0xaf: {  	[dreg:$0x2] =	wrdreg s18  }
0xb0: {  	[dreg:$0x3] =	wrdreg s24  }
0xb1: {  	[dreg:$0x4] =	wrdreg s2  }
0xb2: {  	[dreg:$0x5] =	wrdreg $0x0  }
0xb3: {  	[dreg:$0x6] =	wrdreg $0x9  }
0xb4: {  	_ =	task.clear_ibuf [dreg:s8], $0x7FFFF;
	_ =	strace $0x90000046  }
0xb5: {  	s29 =	simm.s32 $0x9;
	_ =	strace $0x80000048  }
0xb6: {  	_ =	swait.ge [sflag:s29], $0x1  }
0xb7: {  	[sflag:s29] =	ssyncadd.s32 $0xFFFFFFFF  }
0xb8: {  	_ =	strace $0x90000048  }
0xb9: {  	_ =	sfence  }
0xba: {  	s30 =	sld [smem:$0x0];
	_ =	sdelay $0x2  }
0xbb: {  	s31 =	sshll.u32 s1, $0xD;
	s1 =	sshrl.u32 s1, $0x2  }
0xbc: {  	s3 =	sand.u32 $0x4000, s31;
	s1 =	sadd.s32 s1, s30  }
0xbd: {  	s0 =	sor.u32 s3, s0;
	s1 =	sshll.u32 s1, $0x11  }
0xbe: {  	s0 =	sor.u32 s1, s0  }
0xbf: {  	s0 =	sadd.s32 $0x8F2B, s0  }
0xc0: {  	[sflag:s0] =	ssyncadd.remote.s32 $0x1  }
0xc1: {  	_ =	sfence.sel $0xFFFF  }
0xc2: {  	[dreg:$0x0] =	wrdreg $0xFFFFFFFF;
	(pc) =	sbr.abs _section_cstart, $3  }
0xc3: {  	[dreg:$0x1] =	wrdreg $0xFFFFFFFF  }
0xc4: {  	_ =	task.clear_ibuf [dreg:s8], $0x2FFFF;
	_ =	strace $0x9FFFFFFF  }
0xc5: {  	(tm) =	ssettm $0x7FFFFFFF  }
tec
execute0_lowered:
.L_overlay_start_1:
0x0: {  	(tag) =	ssettag $0x1  }
0x1: {  	s1 =	rddreg [dreg:$0x0]  }
0x2: {  	s6 =	rddreg [dreg:$0x1]  }
0x3: {  	s9 =	rddreg [dreg:$0x2]  }
0x4: {  	s2 =	rddreg [dreg:$0x3]  }
0x5: {  	s0 =	rddreg [dreg:$0x4]  }
0x6: {  	s4 =	simm.s32 $0x0;
	s5 =	srdreg.scid;
	s3 =	stileid.u32  }
0x7: {  	s13 =	simm.s32 $0x5;
	s16 =	simm.s32 $0x60;
	s17 =	simm.s32 $0x1C6E0  }
0x8: {  	s18 =	simm.s32 $0x1C760;
	s19 =	simm.s32 $0x0;
	[smem:$0x7FF] =	sst s4  }
0x9: {  	s10 =	sand.u32 $0x1, s5;
	s8 =	smul.u32 $0x620, s3;
	s5 =	sadd.s32 $0x400800, s6  }
0xa: {  	s6 =	sadd.s32 $0x600800, s6;
	s12 =	sshll.u32 s3, $0xB;
	s7 =	ssub.s32 $0x2, s10  }
.Ltmp0:
0xb: {  	s14 =	sshll.u32 s3, $0x6;
	s11 =	sshrl.u32 s7, $0x1;
	(pc) =	sbr.rel .LBB2_1-.Ltmp0, $4  }
0xc: {  	_ =	strace $0x80000047;
	s11 =	ssub.s32 s7, s11;
	s7 =	smin.u32 s8, $0x5B88  }
0xd: {  	s9 =	sadd.s32 s9, s12;
	s10 =	smul.u32 $0x14, s10;
	s31 =	sshll.u32 s7, $0x6  }
0xe: {  	v0 =	vlaneseq.u32;
	s12 =	simm.s32 $0x186E0;
	s14 =	sor.u32 $0x1C05, s14;
	s15 =	sadd.s32 s31, s2  }
0xf: {  	v1 =	vadd.s32 $0x61A8, v0;
	v2 =	vor.u32 $0x70, v0;
	s8 =	sshll.u32 s3, $0xE;
	s11 =	smax.u32 s11, $0x1;
	s15 =	sshrl.u32 s15, $0x3  }
.LBB2_7:
0x10: {  	s19 =	sadd.s32 $0x1, s19  }
0x11: {  	p0 =	sne.s32 s19, s11  }
.Ltmp1:
0x12: {  	_ = 	snop;
	(pc) =	sbr.rel @!p0 .LBB2_8-.Ltmp1, $1  }
0x13: {  	_ =	sdelay $0x3  }
.LBB2_1:
.Ltmp2:
0x14: {  	(pc) =	sbr.rel .LBB2_2-.Ltmp2, $4  }
0x15: {  	[tilespmem:s12], [sflag:$0x5] =	stream.linear.gather [hbm4b:s9+s4], $0x4000, $0x38;
	[tilespmem:$0x1F960] =	vst v63  }
0x16: {  	_ =	swait.ge [sflag:s13], $0x4000  }
0x17: {  	[sflag:s13] =	ssyncset.done $0x0  }
0x18: {  	s20 =	simm.s32 $0x0;
	[sflag:s13] =	ssyncadd.s32 $0xFFFFC000  }
.LBB2_6:
0x19: {  	v3 =	vadd.s32 s25, v0;
	_ =	sdelay $0x2  }
0x1a: {  	p0 =	slt.s32 s25, $0x1  }
0x1b: {  	p1 =	slt.s32 @!p0 s22, $0x2  }
0x1c: {  	s23 =	sand.u32 @!p0 $0x1, s22;
	p1 =	por p1, p0;
	[tilespmem:v3+s17+$0x0] =	vst.idx.msk $0xffff, v1  }
0x1d: {  	s24 =	sadd.s32 @!p1 $0x3, s23;
	[tilespmem:v3+s18+$0x0] =	vst.idx.msk $0xffff, v0  }
0x1e: {  	_ =	swait.ge @!p1 [sflag:s24], $0x1800  }
0x1f: {  	[sflag:s24] =	ssyncset.done @!p1 $0x0  }
0x20: {  	[sflag:s24] =	ssyncadd.s32 @!p1 $0xFFFFE800  }
0x21: {  	v3 =	vld @!p0 [tilespmem:$0x1C6E0];
	_ =	sdelay $0x2  }
0x22: {  	s24 =	smul.u32 @!p0 $0x60, s23;
	_ =	sdelay $0x1  }
0x23: {  	[tilespmem:s24+$0x1C7E0] =	vst @!p0 v3  }
0x24: {  	v3 =	vld @!p0 [tilespmem:$0x1C760];
	_ =	sdelay $0x4  }
0x25: {  	[tilespmem:s24+$0x1C8A0] =	vst @!p0 v3  }
0x26: {  	v3 =	vld @!p0 [tilespmem:$0x1C6F0];
	_ =	sdelay $0x4  }
0x27: {  	[tilespmem:s24+$0x1C7F0] =	vst @!p0 v3  }
0x28: {  	v3 =	vld @!p0 [tilespmem:$0x1C770];
	_ =	sdelay $0x4  }
0x29: {  	[tilespmem:s24+$0x1C8B0] =	vst @!p0 v3  }
0x2a: {  	v3 =	vld @!p0 [tilespmem:$0x1C700];
	_ =	sdelay $0x4  }
0x2b: {  	[tilespmem:s24+$0x1C800] =	vst @!p0 v3  }
0x2c: {  	v3 =	vld @!p0 [tilespmem:$0x1C780];
	_ =	sdelay $0x4  }
0x2d: {  	[tilespmem:s24+$0x1C8C0] =	vst @!p0 v3  }
0x2e: {  	v3 =	vld @!p0 [tilespmem:$0x1C710];
	_ =	sdelay $0x4  }
0x2f: {  	[tilespmem:s24+$0x1C810] =	vst @!p0 v3  }
0x30: {  	v3 =	vld @!p0 [tilespmem:$0x1C790];
	_ =	sdelay $0x4  }
0x31: {  	[tilespmem:s24+$0x1C8D0] =	vst @!p0 v3  }
0x32: {  	v3 =	vld @!p0 [tilespmem:$0x1C720];
	_ =	sdelay $0x4  }
0x33: {  	[tilespmem:s24+$0x1C820] =	vst @!p0 v3  }
0x34: {  	v3 =	vld @!p0 [tilespmem:$0x1C7A0];
	_ =	sdelay $0x4  }
0x35: {  	[tilespmem:s24+$0x1C8E0] =	vst @!p0 v3  }
0x36: {  	v3 =	vld @!p0 [tilespmem:$0x1C730];
	_ =	sdelay $0x4  }
0x37: {  	[tilespmem:s24+$0x1C830] =	vst @!p0 v3  }
0x38: {  	v3 =	vld @!p0 [tilespmem:$0x1C7B0];
	_ =	sdelay $0x1  }
0x39: {  	s26 =	smul.u32 @!p0 $0x6000, s23;
	_ =	sdelay $0x1  }
0x3a: {  	s29 =	simm.s32 @!p0 $0x60;
	s26 =	sshrl.u32 @!p0 s26, $0x2;
	p1 =	slt.s32 @!p0 s22, $0x1  }
0x3b: {  	s28 =	sadd.s32 @!p0 $0x1C8A0, s24;
	[tilespmem:s24+$0x1C8F0] =	vst @!p0 v3;
	s24 =	sadd.s32 @!p0 $0x1C960, s26;
	s26 =	sadd.s32 @!p0 $0x1, s23  }
0x3c: {  	[tilespmem:s24], [sflag:s26] =	stream.indirect.gather @!p0 [hbm4b:s5+s29], $0x40, s28, s29, $0xb8;
	[tilespmem:$0x1F960] =	vst v63  }
0x3d: {  	s23 =	sxor.u32 @!p0 $0x1, s23;
	p0 =	por p1, p0  }
0x3e: {  	s24 =	sadd.s32 @!p0 $0x1, s23;
	s26 =	smul.u32 @!p0 $0x6000, s23  }
0x3f: {  	s28 =	smul.u32 @!p0 $0x180, s23;
	_ =	swait.ge @!p0 [sflag:s24], $0x1800  }
0x40: {  	[sflag:s24] =	ssyncset.done @!p0 $0x0;
	s26 =	sshrl.u32 @!p0 s26, $0x2  }
0x41: {  	[sflag:s24] =	ssyncadd.s32 @!p0 $0xFFFFE800;
	s24 =	sadd.s32 @!p0 $0x1C960, s26;
	s26 =	sshrl.u32 @!p0 s28, $0x2  }
0x42: {  	s23 =	sadd.s32 @!p0 $0x3, s23;
	s28 =	simm.s32 @!p0 $0x60;
	s26 =	sadd.s32 @!p0 $0x1C7E0, s26  }
0x43: {  	[spmem:s2] =	stream.indirect.scatter.add.f32 @!p0 [tilespmem:s24], [sflag:s23], $0x40, s26, s28, $0xb8;
	[tilespmem:$0x1F960] =	vst v63  }
0x44: {  	p0 =	sgt.s32 s25, $0x0;
	s23 =	simm.s32 $0x1  }
0x45: {  	s23 =	simm.s32 @!p0 $0x0  }
0x46: {  	s22 =	sadd.s32 s23, s22  }
0x47: {  	p0 =	slt.s32 s22, $0x1  }
0x48: {  	s23 =	sand.u32 @!p0 $0x1, s22  }
0x49: {  	s24 =	sxor.u32 @!p0 $0x1, s23  }
0x4a: {  	s25 =	sadd.s32 @!p0 $0x1, s24;
	s26 =	smul.u32 @!p0 $0x6000, s24  }
0x4b: {  	s28 =	smul.u32 @!p0 $0x180, s24;
	_ =	swait.ge @!p0 [sflag:s25], $0x1800  }
0x4c: {  	[sflag:s25] =	ssyncset.done @!p0 $0x0;
	s26 =	sshrl.u32 @!p0 s26, $0x2  }
0x4d: {  	[sflag:s25] =	ssyncadd.s32 @!p0 $0xFFFFE800;
	s25 =	sadd.s32 @!p0 $0x1C960, s26;
	s26 =	sshrl.u32 @!p0 s28, $0x2  }
0x4e: {  	s24 =	sadd.s32 @!p0 $0x3, s24;
	s28 =	simm.s32 @!p0 $0x60;
	s26 =	sadd.s32 @!p0 $0x1C7E0, s26  }
0x4f: {  	[spmem:s2] =	stream.indirect.scatter.add.f32 @!p0 [tilespmem:s25], [sflag:s24], $0x40, s26, s28, $0xb8;
	[tilespmem:$0x1F960] =	vst v63  }
0x50: {  	p1 =	seq.s32 @!p0 s22, $0x1;
	_ =	swait.ge @!p0 [sflag:s24], $0x1800  }
0x51: {  	p1 =	por p1, p0;
	[sflag:s24] =	ssyncset.done @!p0 $0x0  }
0x52: {  	s22 =	sadd.s32 @!p1 $0x3, s23;
	[sflag:s24] =	ssyncadd.s32 @!p0 $0xFFFFE800  }
0x53: {  	_ =	swait.ge @!p1 [sflag:s22], $0x1800  }
0x54: {  	[sflag:s22] =	ssyncset.done @!p1 $0x0  }
0x55: {  	s20 =	sadd.s32 $0x1, s20;
	[sflag:s22] =	ssyncadd.s32 @!p1 $0xFFFFE800  }
0x56: {  	s21 =	sadd.s32 s6, s21;
	p0 =	sne.s32 s20, $0x14;
	[bflag:$0x0] =	sbarrier.arrive $0xFFFF  }
0x57: {  	[hbm:s21], [sflag:s14] =	dma.local [spmem:s15], $0x3100  }
.Ltmp3:
0x58: {  	_ =	swait.ge [sflag:s13], $0x3100;
	(pc) =	sbr.rel @!p0 .LBB2_7-.Ltmp3, $3  }
0x59: {  	[sflag:s13] =	ssyncset.done $0x0  }
0x5a: {  	[sflag:s13] =	ssyncadd.s32 $0xFFFFCF00  }
0x5b: {  	[bflag:$0x0] =	sbarrier.arrive $0xFFFF;
	_ =	sdelay $0x1  }
.LBB2_2:
0x5c: {  	s21 =	sadd.s32 s10, s20  }
0x5d: {  	s22 =	smul.u32 $0x61A8, s21;
	_ =	sdelay $0x1  }
0x5e: {  	s21 =	sadd.s32 s7, s22  }
0x5f: {  	s21 =	sshll.u32 s21, $0x3  }
0x60: {  	s23 =	sadd.s32 s1, s21  }
0x61: {  	[spmem:s15], [sflag:s14] =	dma.local [hbm:s23], $0x3100  }
0x62: {  	_ =	swait.ge [sflag:s13], $0x3100  }
0x63: {  	[sflag:s13] =	ssyncset.done $0x0  }
0x64: {  	[sflag:s13] =	ssyncadd.s32 $0xFFFFCF00  }
0x65: {  	[bflag:$0x0] =	sbarrier.arrive $0xFFFF  }
0x66: {  	[tilespmem:$0x1C6E0] =	vst v1  }
0x67: {  	[tilespmem:$0x1C760] =	vst v0  }
0x68: {  	[tilespmem:$0x1C6F0] =	vst v1  }
0x69: {  	[tilespmem:$0x1C770] =	vst v0  }
0x6a: {  	[tilespmem:$0x1C700] =	vst v1  }
0x6b: {  	[tilespmem:$0x1C780] =	vst v0  }
0x6c: {  	[tilespmem:$0x1C710] =	vst v1  }
0x6d: {  	[tilespmem:$0x1C790] =	vst v0  }
0x6e: {  	[tilespmem:$0x1C720] =	vst v1  }
.Ltmp4:
0x6f: {  	[tilespmem:$0x1C7A0] =	vst v0;
	(pc) =	sbr.rel .LBB2_3-.Ltmp4, $4  }
0x70: {  	[tilespmem:$0x1C730] =	vst v1  }
0x71: {  	[tilespmem:$0x1C7B0] =	vst v0  }
0x72: {  	s25 =	simm.s32 $0x0;
	s31 =	sadd.s32 $0x61A8, s22;
	[tilespmem:$0x1C740] =	vst v1  }
0x73: {  	s24 =	simm.s32 $0x0;
	v3 =	vmov s22;
	s22 =	simm.s32 $0x0;
	v4 =	vmov s31;
	s23 =	smov.u32 s8;
	[tilespmem:$0x1C7C0] =	vst v0  }
.LBB2_5:
0x74: {  	p0 =	sgt.s32 s26, $0x5F;
	s26 =	simm.s32 $0x1;
	s24 =	sadd.s32 $0x40, s24  }
0x75: {  	s26 =	simm.s32 @!p0 $0x0;
	p0 =	sne.s32 s24, $0x10000  }
.Ltmp5:
0x76: {  	_ = 	snop;
	(pc) =	sbr.rel @!p0 .LBB2_6-.Ltmp5, $2  }
0x77: {  	_ =	sdelay $0x2  }
0x78: {  	s23 =	sadd.s32 $0x10, s23;
	s22 =	sadd.s32 s26, s22  }
.LBB2_3:
0x79: {  	s26 =	sshra.s32 s24, $0x2  }
0x7a: {  	v5 =	vld [tilespmem:s26+$0x186E0];
	_ =	sdelay $0x4  }
0x7b: {  	vm0 =	vge.s32 v5, v3;
	vm1 =	vlt.s32 v5, v4  }
0x7c: {  	vm0 =	vmand vm0, vm1  }
0x7d: {  	v6 =	vmpcnt.ones.xlane vm0;
	_ =	sdelay $0x1  }
0x7e: {  	(v2sf) =	vpush v6, $0x0;
	_ =	sdelay $0xe  }
0x7f: {  	s31 =	spop (v2sf)  }
0x80: {  	p0 =	slt.s32 s31, $0x1  }
0x81: {  	v6 =	vimm.s32 @!p0 $0x0  }
0x82: {  	v7 =	vsel @!p0 vm0, $0x1, v6  }
0x83: {  	(xrf0) =	vadd.scan.msk.s32 @!p0 $0xffff, v7;
	_ =	sdelay $0x4  }
0x84: {  	v6 =	vsel @!p0 vm0, $0xFFFFFFFF, v6  }
0x85: {  	v7 =	vlaneseq.u32 @!p0;
	v6 =	vadd.s32 @!p0 s25, v6;
	v8, _, _ =	vpop @!p0 (xrf0)  }
0x86: {  	v6 =	vadd.s32 @!p0 v8, v6;
	v8 =	vor.u32 @!p0 $0x70, v7  }
0x87: {  	s26 =	sadd.s32 s25, s31;
	v6 =	vsel @!p0 vm0, v6, v8  }
0x88: {  	p1 =	slt.s32 s26, $0x60  }
.Ltmp6:
0x89: {  	_ = 	snop;
	(pc) =	sbr.rel @p1 .LBB2_5-.Ltmp6, $4  }
0x8a: {  	_ = 	snop  }
0x8b: {  	v5 =	vsub.s32 @!p0 v5, v3;
	s28 =	simm.s32 @!p0 $0x1C6E0  }
0x8c: {  	s25 =	simm.s32 @!p0 $0x1C760;
	v7 =	vor.u32 @!p0 s23, v7;
	[tilespmem:v6+s28+$0x0] =	vst.idx.msk @!p0 $0xffff, v5  }
0x8d: {  	[tilespmem:v6+s25+$0x0] =	vst.idx.msk @!p0 $0xffff, v7;
	s25 =	smov.u32 s26  }
0x8e: {  	s25 =	sand.u32 $0x1, s22;
	p0 =	slt.s32 s22, $0x2  }
0x8f: {  	s28 =	sadd.s32 @!p0 $0x3, s25  }
0x90: {  	_ =	swait.ge @!p0 [sflag:s28], $0x1800  }
0x91: {  	[sflag:s28] =	ssyncset.done @!p0 $0x0  }
0x92: {  	[sflag:s28] =	ssyncadd.s32 @!p0 $0xFFFFE800  }
0x93: {  	v5 =	vld [tilespmem:$0x1C6E0];
	_ =	sdelay $0x2  }
0x94: {  	s31 =	smul.u32 $0x60, s25;
	_ =	sdelay $0x1  }
0x95: {  	[tilespmem:s31+$0x1C7E0] =	vst v5  }
0x96: {  	v5 =	vld [tilespmem:$0x1C760];
	_ =	sdelay $0x4  }
0x97: {  	[tilespmem:s31+$0x1C8A0] =	vst v5  }
0x98: {  	v5 =	vld [tilespmem:$0x1C6F0];
	_ =	sdelay $0x4  }
0x99: {  	[tilespmem:s31+$0x1C7F0] =	vst v5  }
0x9a: {  	v5 =	vld [tilespmem:$0x1C770];
	_ =	sdelay $0x4  }
0x9b: {  	[tilespmem:s31+$0x1C8B0] =	vst v5  }
0x9c: {  	v5 =	vld [tilespmem:$0x1C700];
	_ =	sdelay $0x4  }
0x9d: {  	[tilespmem:s31+$0x1C800] =	vst v5  }
0x9e: {  	v5 =	vld [tilespmem:$0x1C780];
	_ =	sdelay $0x4  }
0x9f: {  	[tilespmem:s31+$0x1C8C0] =	vst v5  }
0xa0: {  	v5 =	vld [tilespmem:$0x1C710];
	_ =	sdelay $0x4  }
0xa1: {  	[tilespmem:s31+$0x1C810] =	vst v5  }
0xa2: {  	v5 =	vld [tilespmem:$0x1C790];
	_ =	sdelay $0x4  }
0xa3: {  	[tilespmem:s31+$0x1C8D0] =	vst v5  }
0xa4: {  	v5 =	vld [tilespmem:$0x1C720];
	_ =	sdelay $0x4  }
0xa5: {  	[tilespmem:s31+$0x1C820] =	vst v5  }
0xa6: {  	v5 =	vld [tilespmem:$0x1C7A0];
	_ =	sdelay $0x4  }
0xa7: {  	[tilespmem:s31+$0x1C8E0] =	vst v5  }
0xa8: {  	v5 =	vld [tilespmem:$0x1C730];
	_ =	sdelay $0x4  }
0xa9: {  	[tilespmem:s31+$0x1C830] =	vst v5  }
0xaa: {  	v5 =	vld [tilespmem:$0x1C7B0]  }
0xab: {  	s29 =	smul.u32 $0x6000, s25;
	_ =	sdelay $0x1  }
0xac: {  	s29 =	sshrl.u32 s29, $0x2  }
0xad: {  	s30 =	sadd.s32 $0x1C8A0, s31;
	s28 =	sadd.s32 $0x1C960, s29  }
0xae: {  	p0 =	slt.s32 s22, $0x1;
	[tilespmem:s31+$0x1C8F0] =	vst v5;
	s31 =	sadd.s32 $0x1, s25;
	s25 =	sxor.u32 $0x1, s25  }
0xaf: {  	[tilespmem:s28], [sflag:s31] =	stream.indirect.gather [hbm4b:s5+s16], $0x40, s30, s16, $0xb8;
	[tilespmem:$0x1F960] =	vst v63  }
0xb0: {  	s28 =	sadd.s32 @!p0 $0x1, s25;
	s29 =	smul.u32 @!p0 $0x6000, s25  }
0xb1: {  	s30 =	smul.u32 @!p0 $0x180, s25;
	_ =	swait.ge @!p0 [sflag:s28], $0x1800  }
0xb2: {  	[sflag:s28] =	ssyncset.done @!p0 $0x0;
	s29 =	sshrl.u32 @!p0 s29, $0x2  }
0xb3: {  	[sflag:s28] =	ssyncadd.s32 @!p0 $0xFFFFE800;
	s28 =	sadd.s32 @!p0 $0x1C960, s29;
	s29 =	sshrl.u32 @!p0 s30, $0x2  }
0xb4: {  	s25 =	sadd.s32 @!p0 $0x3, s25;
	s30 =	simm.s32 @!p0 $0x60;
	s29 =	sadd.s32 @!p0 $0x1C7E0, s29  }
0xb5: {  	[spmem:s2] =	stream.indirect.scatter.add.f32 @!p0 [tilespmem:s28], [sflag:s25], $0x40, s29, s30, $0xb8;
	[tilespmem:$0x1F960] =	vst v63  }
0xb6: {  	[tilespmem:$0x1C6E0] =	vst v1  }
0xb7: {  	[tilespmem:$0x1C760] =	vst v0  }
0xb8: {  	[tilespmem:$0x1C6F0] =	vst v1  }
0xb9: {  	[tilespmem:$0x1C770] =	vst v0  }
0xba: {  	[tilespmem:$0x1C700] =	vst v1  }
0xbb: {  	[tilespmem:$0x1C780] =	vst v0  }
0xbc: {  	s25 =	sadd.s32 $0xFFFFFFA0, s26;
	[tilespmem:$0x1C710] =	vst v1  }
0xbd: {  	[tilespmem:$0x1C790] =	vst v0;
	v5 =	vmov s25  }
0xbe: {  	[tilespmem:$0x1C720] =	vst v1;
	vm0 =	vgt.s32 v5, v0  }
0xbf: {  	[tilespmem:$0x1C7A0] =	vst v0;
	v5 =	vld [tilespmem:$0x1C740];
	v6 =	vsel vm0, v0, v2  }
0xc0: {  	v7 =	vld [tilespmem:$0x1C7C0];
	[tilespmem:$0x1C730] =	vst v1  }
0xc1: {  	[tilespmem:$0x1C7B0] =	vst v0;
	v8 =	vadd.s32 s25, v0  }
0xc2: {  	[tilespmem:$0x1C7C0] =	vst v0  }
.Ltmp7:
0xc3: {  	[tilespmem:$0x1C740] =	vst v1;
	(pc) =	sbr.rel .LBB2_5-.Ltmp7, $4  }
0xc4: {  	[tilespmem:v6+s17+$0x0] =	vst.idx.msk $0xffff, v5  }
0xc5: {  	[tilespmem:v6+s18+$0x0] =	vst.idx.msk $0xffff, v7  }
0xc6: {  	[tilespmem:v8+s17+$0x0] =	vst.idx.msk $0xffff, v1  }
0xc7: {  	[tilespmem:v8+s18+$0x0] =	vst.idx.msk $0xffff, v0  }
.LBB2_8:
0xc8: {  	_ =	sfence.sel $0x180000  }
0xc9: {  	[bflag:$0x0] =	sbarrier.arrive $0xFFFF  }
0xca: {  	p0 =	sne.s32 s3, $0x0;
	_ =	strace $0x90000047  }
0xcb: {  	s0 =	sadd.s32 @!p0 $0x100000, s0;
	[bflag:$0x2] =	sbarrier.arrive $0xFFFF  }
0xcc: {  	[sflag:s0] =	ssyncadd.tile.s32 @!p0 $0x1;
	_ =	shalt  }
.Lfunc_end2:
_tile_overlayer_lowered:
.L_overlay_start_2:
0xcd: {  	(tag) =	ssettag $0x2  }
0xce: {  	s0 =	rddreg [dreg:$0x0];
	s2 =	stileid.u32  }
0xcf: {  	s1 =	rddreg [dreg:$0x1];
	p0 =	sne.s32 s2, $0x0  }
0xd0: {  	s3 =	rddreg [dreg:$0x2];
	[bflag:$0x3] =	sbarrier.arrive $0xFFFF;
	s2 =	simm.s32 @!p0 $0x1C05  }
0xd1: {  	[timem:s3], [sflag:s2] =	dma.local @!p0 [hbm:s0], s1  }
0xd2: {  	s0 =	simm.s32 @!p0 $0x5  }
0xd3: {  	_ =	swait.ge @!p0 [sflag:s0], s1  }
0xd4: {  	s1 =	ssub.s32 @!p0 $0x0, s1;
	[sflag:s0] =	ssyncset.done @!p0 $0x0  }
0xd5: {  	[sflag:s0] =	ssyncadd.s32 @!p0 s1  }
0xd6: {  	[bflag:$0x3] =	sbarrier.arrive $0xFFFF  }
0xd7: {  	_ =	shalt  }

// kernel: sparse-core-data-format-call.cloned.1.call-start
scs
called_computation_lowered:
.L_overlay_start_0:
0x0: {  	s2 =	sld [smem:$0x3FD9]  }
0x1: {  	s3 =	sld [smem:$0x3FFE];
	_ =	sdelay $0x1  }
0x2: {  	s1 =	srdreg.scid  }
0x3: {  	s0 =	sand.u32 $0x1, s1  }
0x4: {  	s18 =	sshll.u32 s0, $0xA;
	s2 =	sadd.s32 s3, s2  }
0x5: {  	s2 =	sadd.s32 s2, s18  }
0x6: {  	[smem:$0x3FC5] =	sst s2  }
0x7: {  	_ = 	snop  }
0x8: {  	s2 =	sld [smem:$0x3FD0];
	(tm) =	ssettm $0x1  }
0x9: {  	s19 =	sld [smem:$0x3FFB];
	_ =	sdelay $0x3  }
0xa: {  	_ =	strace s19  }
0xb: {  	s3 =	sld [smem:$0x3FFC];
	_ =	sdelay $0x3  }
0xc: {  	_ =	strace s3  }
0xd: {  	s3 =	sld [smem:$0x3FFD];
	_ =	sdelay $0x3  }
0xe: {  	_ =	strace s3  }
0xf: {  	_ =	strace $0x8FFFFFFF  }
0x10: {  	s20 =	sld [smem:$0x3FDB];
	_ =	sdelay $0x1  }
0x11: {  	s4 =	simm.s32 $_scs_section_size  }
0x12: {  	s5 =	simm.s32 $_size__tile_overlayer_lowered;
	s6 =	simm.s32 $_tile_overlayer_lowered  }
0x13: {  	s23 =	simm.s32 $0x1BFF;
	s22 =	sshll.u32 s6, $0x1;
	s3 =	sadd.s32 s4, s20  }
0x14: {  	s7 =	simm.s32 $0x0;
	s21 =	sshll.u32 s5, $0x1;
	s5 =	sadd.s32 s22, s3  }
0x15: {  	[timem:s7], [sflag:s23] =	dma.local [hbm:s5], s21  }
0x16: {  	_ =	swait.ge [sflag:s23], s21  }
0x17: {  	s4 =	ssub.s32 $0x0, s21;
	[sflag:s23] =	ssyncset.done $0x0  }
0x18: {  	[sflag:s23] =	ssyncadd.s32 s4;
	_ =	sdelay $0x1  }
0x19: {  	s24 =	simm.s32 $0x1B8B  }
0x1a: {  	_ =	swait.ge [sflag:s24], $0x1  }
0x1b: {  	[sflag:s24] =	ssyncset.done $0x0  }
0x1c: {  	s26 =	simm.s32 $0x1B8E;
	s25 =	sld [smem:$0x3FFE];
	[sflag:s24] =	ssyncadd.s32 $0xFFFFFFFF  }
0x1d: {  	s27 =	simm.s32 $execute0_lowered;
	[smem:$0x3FD2] =	sst s26  }
0x1e: {  	s5 =	sshll.u32 s27, $0x1;
	_ =	strace $0x80000049;
	[dreg:$0x1] =	wrdreg $0xFFFFFFFF  }
0x1f: {  	s28 =	simm.s32 $_size_execute0_lowered;
	s3 =	sadd.s32 s3, s5;
	[dreg:$0x0] =	wrdreg $0x0  }
0x20: {  	s5 =	sshll.u32 s28, $0x1;
	[dreg:$0x2] =	wrdreg s3  }
0x21: {  	[dreg:$0x3] =	wrdreg s5  }
0x22: {  	[dreg:$0x4] =	wrdreg $0xC0  }
0x23: {  	_ =	task [dreg:s7], $0x5FFFF  }
0x24: {  	[dreg:$0x1] =	wrdreg $0xFFFFFFFF  }
0x25: {  	[dreg:$0x0] =	wrdreg $0x60  }
0x26: {  	[dreg:$0x2] =	wrdreg s25  }
0x27: {  	[dreg:$0x3] =	wrdreg s2  }
0x28: {  	[dreg:$0x4] =	wrdreg $0x9  }
0x29: {  	_ =	task.clear_ibuf [dreg:s7], $0x5FFFF;
	_ =	strace $0x90000049  }
0x2a: {  	s29 =	simm.s32 $0x9;
	_ =	strace $0x8000004B  }
0x2b: {  	_ =	swait.ge [sflag:s29], $0x1  }
0x2c: {  	[sflag:s29] =	ssyncadd.s32 $0xFFFFFFFF  }
0x2d: {  	_ =	strace $0x9000004B  }
0x2e: {  	_ =	sfence  }
0x2f: {  	s30 =	sld [smem:$0x0];
	_ =	sdelay $0x2  }
0x30: {  	s31 =	sshll.u32 s1, $0xD;
	s1 =	sshrl.u32 s1, $0x2  }
0x31: {  	s3 =	sand.u32 $0x4000, s31;
	s1 =	sadd.s32 s1, s30  }
0x32: {  	s0 =	sor.u32 s3, s0;
	s1 =	sshll.u32 s1, $0x11  }
0x33: {  	s0 =	sor.u32 s1, s0  }
0x34: {  	s0 =	sadd.s32 $0x8F2B, s0  }
0x35: {  	[sflag:s0] =	ssyncadd.remote.s32 $0x1  }
0x36: {  	_ =	sfence.sel $0xFFFF  }
0x37: {  	[dreg:$0x0] =	wrdreg $0xFFFFFFFF;
	(pc) =	sbr.abs _section_cstart, $3  }
0x38: {  	[dreg:$0x1] =	wrdreg $0xFFFFFFFF  }
0x39: {  	_ =	task.clear_ibuf [dreg:s7], $0x2FFFF;
	_ =	strace $0x9FFFFFFF  }
0x3a: {  	(tm) =	ssettm $0x7FFFFFFF  }
0x3b: {  	_ =	shalt  }
tec
execute0_lowered:
.L_overlay_start_1:
0x0: {  	(tag) =	ssettag $0x1  }
0x1: {  	s4 =	rddreg [dreg:$0x0]  }
0x2: {  	s0 =	srdreg.scid;
	s2 =	rddreg [dreg:$0x1]  }
0x3: {  	s1 =	stileid.u32;
	s5 =	simm.s32 $0x1;
	s0 =	sshll.u32 s0, $0x4  }
0x4: {  	s7 =	simm.s32 $0x2;
	s11 =	simm.s32 $0x0;
	s3 =	sand.u32 $0x10, s0  }
.Ltmp0:
0x5: {  	p0 =	por $0x0, $0x0;
	s3 =	sor.u32 s1, s3;
	(pc) =	sbr.rel .LBB1_1-.Ltmp0, $4  }
0x6: {  	s8 =	simm.s32 $0x7A1400;
	s10 =	simm.s32 $0x0;
	s3 =	sshll.u32 s3, $0x7  }
0x7: {  	s0 =	rddreg [dreg:$0x2];
	_ =	strace $0x8000004A;
	s6 =	ssub.s32 $0xF4200, s3  }
0x8: {  	s4 =	sadd.s32 $0xDA1A00, s4;
	[sflag:s5] =	ssyncpa.u1 $0x0;
	s6 =	sshrl.u32 s6, $0xC  }
0x9: {  	[sflag:s7] =	ssyncpa.u1 $0x0;
	s9 =	smov.u32 s3;
	s7 =	sadd.s32 $0x2, s6  }
.LBB1_5:
0xa: {  	s13 =	sadd.s32 $0x1000, s9  }
0xb: {  	p2 =	sgt.s32 s13, $0xF423F  }
0xc: {  	s13 =	smov.u32 @p2 s3;
	p2 =	sne.s32 s10, s7  }
.Ltmp1:
0xd: {  	p1 =	slt.u32 s10, $0x2;
	(pc) =	sbr.rel @!p2 .LBB1_6-.Ltmp1, $4  }
0xe: {  	s12 =	simm.s32 @!p1 $0x2  }
0xf: {  	s14 =	sadd.s32 $0x1, s10;
	_ =	swait.ge @!p1 [sflag:s12], $0x2000  }
0x10: {  	s11 =	smov.u32 s9;
	p0 =	por !p0, !p0;
	[sflag:s12] =	ssyncset.done @!p1 $0x0  }
0x11: {  	s10 =	smov.u32 s14;
	s9 =	smov.u32 s13;
	[sflag:s12] =	ssyncadd.s32 @!p1 $0xFFFFE000  }
.LBB1_1:
0x12: {  	p1 =	sgt.u32 s10, s6  }
0x13: {  	s13 =	smov.u32 s9;
	p2 =	sgt.s32 @!p1 s9, $0xF41C0  }
0x14: {  	s12 =	sand.u32 @!p1 $0x1FFFFFF, s9;
	s14 =	sshra.s32 @!p1 s9, $0x1F;
	p2 =	por !p2, p1  }
0x15: {  	s15 =	smulhi.u32 @!p1 $0x218DEF5, s12;
	s14 =	sand.u32 @!p1 s14, s9;
	s13 =	simm.s32 @p2 $0xF41C0  }
0x16: {  	s13 =	ssub.s32 @!p1 s13, s14  }
0x17: {  	s14 =	sshrl.u32 @!p1 s15, $0xD;
	s13 =	sadd.s32 @!p1 $0xFFF0BE40, s13  }
0x18: {  	s15 =	sxor.u32 @!p1 $0xFFFFFFFF, s10;
	s14 =	smul.u32 @!p1 $0xF4240, s14;
	s16 =	sshll.u32 @!p1 s13, $0x8  }
0x19: {  	s15 =	sshll.u32 @!p1 s15, $0xD;
	p2 =	sgt.s32 @!p1 s13, $0x7F;
	s13 =	ssub.s32 @!p1 $0x8000, s16  }
0x1a: {  	s12 =	ssub.s32 @!p1 s12, s14;
	p2 =	por !p2, p1;
	s14 =	sand.u32 @!p1 $0x2000, s15  }
0x1b: {  	s15 =	simm.s32 @!p1 $0x40;
	s13 =	sshrl.u32 @!p1 s13, $0x2;
	s12 =	sshll.u32 @!p1 s12, $0x4  }
0x1c: {  	s16 =	simm.s32 @!p1 $0x80;
	s13 =	simm.s32 @!p2 $0x0;
	s12 =	sadd.s32 @!p1 s4, s12  }
0x1d: {  	[tilespmem:s14], [sflag:$0x1] =	stream.strided.gather @!p1 [hbm4b:s12+s15], s13, s16, s15, $0x38;
	[tilespmem:$0x8080] =	vst v63  }
0x1e: {  	p1 =	seq.s32 s10, $0x0  }
0x1f: {  	p2 =	sge.u32 @!p1 s10, s7  }
0x20: {  	p1 =	por p1, p2  }
.Ltmp2:
0x21: {  	_ = 	snop;
	(pc) =	sbr.rel @p1 .LBB1_5-.Ltmp2, $1  }
0x22: {  	_ =	sdelay $0x3  }
0x23: {  	p1 =	sgt.s32 s11, $0xF41C0;
	s12 =	smov.u32 s11;
	s13 =	sshra.s32 s11, $0x1F  }
0x24: {  	s12 =	simm.s32 @!p1 $0xF41C0;
	s13 =	sand.u32 s13, s11  }
0x25: {  	s12 =	ssub.s32 s12, s13  }
0x26: {  	s12 =	sadd.s32 $0xFFF0BE40, s12  }
0x27: {  	s28 =	sshll.u32 s12, $0x8  }
0x28: {  	s13 =	ssub.s32 $0x8000, s28  }
0x29: {  	p1 =	sgt.s32 s12, $0x7F;
	s12 =	sshrl.u32 s13, $0x2  }
0x2a: {  	s13 =	simm.s32 $0x1;
	s12 =	simm.s32 @p1 $0x0  }
0x2b: {  	s13 =	simm.s32 @!p0 $0x0;
	_ =	swait.ge [sflag:s5], s12  }
0x2c: {  	s14 =	sshll.u32 s13, $0xD;
	s12 =	ssub.s32 $0x0, s12;
	[sflag:s5] =	ssyncset.done $0x0  }
0x2d: {  	s16 =	sor.u32 $0x20, s14;
	[sflag:s5] =	ssyncadd.s32 s12  }
0x2e: {  	s29 =	smul.u32 $0x8100, s13;
	v3 =	vld [tilespmem:s16+$0x10]  }
0x2f: {  	s30 =	sand.u32 $0x1, s10;
	v2 =	vld [tilespmem:s16+$0xFFFFFFF0]  }
0x30: {  	s13 =	smul.u32 $0x8100, s30;
	s12 =	sshrl.u32 s29, $0x2;
	v0 =	vld [tilespmem:s16+$0x0]  }
0x31: {  	s14 =	sor.u32 $0x4000, s12;
	v1 =	vld [tilespmem:s16+$0xFFFFFFE0]  }
0x32: {  	s31 =	sshrl.u32 s13, $0x2;
	s13 =	sadd.s32 $0x0, s14  }
0x33: {  	s15 =	simm.s32 $0x4;
	s12 =	sor.u32 $0x4000, s31;
	s16 =	sadd.s32 $0x40, s16;
	[tilespmem:s13+$0x1830 ss:$0x81] =	vst.msk $0xffff, v3  }
.LBB1_3:
0x34: {  	v3 =	vld [tilespmem:s16+$0x10];
	p1 =	sne.s32 s15, $0x1FC;
	[tilespmem:s13+$0x810 ss:$0x81] =	vst.msk $0xffff, v2;
	s17 =	smov.u32 s15;
	s15 =	sadd.s32 $0x4, s15  }
.Ltmp3:
0x35: {  	v2 =	vld [tilespmem:s16+$0xFFFFFFF0];
	[tilespmem:s13+$0x1020 ss:$0x81] =	vst.msk $0xffff, v0;
	(pc) =	sbr.rel @p1 .LBB1_3-.Ltmp3, $4  }
0x36: {  	v0 =	vld [tilespmem:s16+$0x0];
	[tilespmem:s13+$0x0 ss:$0x81] =	vst.msk $0xffff, v1  }
0x37: {  	s13 =	sshra.s32 s17, $0x2;
	v1 =	vld [tilespmem:s16+$0xFFFFFFE0]  }
0x38: {  	s13 =	sadd.s32 s13, s14  }
0x39: {  	s16 =	sadd.s32 $0x40, s16;
	[tilespmem:s13+$0x1830 ss:$0x81] =	vst.msk $0xffff, v3  }
0x3a: {  	s14 =	sshll.u32 s11, $0x3  }
0x3b: {  	s30 =	sand.u32 $0x7F, s11;
	s14 =	sand.u32 $0xFFFFFC00, s14  }
0x3c: {  	s11 =	sor.u32 s30, s14  }
0x3d: {  	s15 =	smulhi.u32 $0x218D6287, s11;
	_ =	sdelay $0x1  }
0x3e: {  	s14 =	smulhi.u32 $0x218D6287, s14;
	s15 =	sshrl.u32 s15, $0x11  }
0x3f: {  	s15 =	smul.u32 $0xF4280, s15  }
0x40: {  	s14 =	sshrl.u32 s14, $0x11  }
.Ltmp4:
0x41: {  	s14 =	sand.u32 $0x3F, s14;
	s11 =	ssub.s32 s11, s15;
	(pc) =	sbr.rel .LBB1_5-.Ltmp4, $4  }
0x42: {  	[tilespmem:s13+$0x810 ss:$0x81] =	vst.msk $0xffff, v2;
	s14 =	smul.u32 $0x1E850, s14;
	s15 =	sshrl.u32 s11, $0x3;
	s11 =	sand.u32 $0x7, s11  }
0x43: {  	[tilespmem:s13+$0x1020 ss:$0x81] =	vst.msk $0xffff, v0;
	s15 =	sadd.s32 s2, s15;
	s11 =	sshll.u32 s11, $0x12  }
0x44: {  	[tilespmem:s13+$0x0 ss:$0x81] =	vst.msk $0xffff, v1;
	s31 =	sadd.s32 s14, s15;
	s11 =	sor.u32 $0x400, s11  }
0x45: {  	[hbm4b:s31+s11] =	stream.strided.scatter [tilespmem:s12], [sflag:$0x2], $0x2000, s8, s11, $0x20;
	[tilespmem:$0x8080] =	vst v63  }
.LBB1_6:
0x46: {  	_ =	sfence.sel $0x180000  }
0x47: {  	s2 =	simm.s32 $0x1;
	[bflag:$0x0] =	sbarrier.arrive $0xFFFF  }
0x48: {  	s31 =	simm.s32 $0x2;
	[sflag:s2] =	ssyncpa.u1 $0x1  }
0x49: {  	[sflag:s31] =	ssyncpa.u1 $0x1  }
0x4a: {  	p0 =	sne.s32 s1, $0x0;
	_ =	strace $0x9000004A  }
0x4b: {  	s0 =	sadd.s32 @!p0 $0x100000, s0;
	[bflag:$0x2] =	sbarrier.arrive $0xFFFF  }
0x4c: {  	[sflag:s0] =	ssyncadd.tile.s32 @!p0 $0x1;
	_ =	shalt  }
.Lfunc_end1:
_tile_overlayer_lowered:
.L_overlay_start_2:
0x4d: {  	(tag) =	ssettag $0x2  }
0x4e: {  	s0 =	rddreg [dreg:$0x0];
	s2 =	stileid.u32  }
0x4f: {  	s1 =	rddreg [dreg:$0x1];
	p0 =	sne.s32 s2, $0x0  }
0x50: {  	s3 =	rddreg [dreg:$0x2];
	[bflag:$0x3] =	sbarrier.arrive $0xFFFF;
	s2 =	simm.s32 @!p0 $0x1C01  }
0x51: {  	[timem:s3], [sflag:s2] =	dma.local @!p0 [hbm:s0], s1  }
0x52: {  	s0 =	simm.s32 @!p0 $0x1  }
0x53: {  	_ =	swait.ge @!p0 [sflag:s0], s1  }
0x54: {  	s1 =	ssub.s32 @!p0 $0x0, s1;
	[sflag:s0] =	ssyncset.done @!p0 $0x0  }
0x55: {  	[sflag:s0] =	ssyncadd.s32 @!p0 s1  }
0x56: {  	[bflag:$0x3] =	sbarrier.arrive $0xFFFF  }
0x57: {  	_ =	shalt  }

</sc_bundles>
